<compile_context>
chip_gen: v7x
topology: tpu7x:2x2x1
jax: 0.10.2.dev20260603
libtpu: 0.0.44.dev20260713+nightly
codegen_flags: <defaults>
</compile_context>

<pallas_src>
import functools

import jax
import jax.numpy as jnp
from jax import lax
from jax.experimental import pallas as pl
from jax.experimental.pallas import tpu as pltpu
from jax.experimental.pallas import tpu_sc as plsc

N = 10000
E = 320000
D = 128
NPAD = 10240
NCORE = 2
NSUB = 16
ROWS_PER_SUB = NPAD // NSUB
CHUNK = 128
CH_PER_W = 80
CH_HALF = CH_PER_W // 2
E2 = NCORE * NSUB * CH_PER_W * CHUNK
ZROWS = 32

BR = 1000
GRID = N // BR


def _segment_sum_sc(table, src, dst):
    mesh = plsc.VectorSubcoreMesh(core_axis_name="c", subcore_axis_name="s")

    @functools.partial(
        pl.kernel,
        out_type=[jax.ShapeDtypeStruct((NCORE, NPAD, D), jnp.float32),
                  jax.ShapeDtypeStruct((NCORE, NPAD), jnp.float32)],
        mesh=mesh,
        scratch_types=[
            pltpu.VMEM((2 * CH_HALF, 1, CHUNK), jnp.int32),
            pltpu.VMEM((2, CHUNK, D), jnp.float32),
            pltpu.VMEM((CHUNK,), jnp.float32),
            pltpu.VMEM((ZROWS, D), jnp.float32),
            pltpu.VMEM((ROWS_PER_SUB,), jnp.float32),
            pltpu.VMEM_SHARED((NPAD, D), jnp.float32),
            pltpu.VMEM_SHARED((NPAD,), jnp.float32),
            pltpu.SemaphoreType.DMA((2,)),
            pltpu.SemaphoreType.DMA,
        ],
    )
    def seg_kernel(tab_hbm, idx_hbm, agg_hbm, cnt_hbm,
                   idx_v, rows2, ones_v, zbuf, zcnt, acc_sh, cnt_sh,
                   sem2, sem_c):
        cid = lax.axis_index("c")
        sid = lax.axis_index("s")
        w = cid * NSUB + sid

        @pl.loop(0, ZROWS)
        def _(r):
            @pl.loop(0, D, step=16)
            def _(cc):
                zbuf[r, pl.ds(cc, 16)] = jnp.zeros((16,), jnp.float32)

        @pl.loop(0, ROWS_PER_SUB, step=16)
        def _(i):
            zcnt[pl.ds(i, 16)] = jnp.zeros((16,), jnp.float32)

        @pl.loop(0, CHUNK, step=16)
        def _(i):
            ones_v[pl.ds(i, 16)] = jnp.ones((16,), jnp.float32)

        pltpu.sync_copy(idx_hbm.at[pl.ds(w * 4 * CH_HALF, 2 * CH_HALF)], idx_v)
        pltpu.async_copy(tab_hbm.at[idx_v.at[0, 0]], rows2.at[0], sem2.at[0])
        pltpu.async_copy(tab_hbm.at[idx_v.at[2, 0]], rows2.at[1], sem2.at[1])

        @pl.loop(0, ROWS_PER_SUB // ZROWS)
        def _(j):
            pltpu.sync_copy(
                zbuf, acc_sh.at[pl.ds(sid * ROWS_PER_SUB + j * ZROWS, ZROWS)])

        pltpu.sync_copy(zcnt, cnt_sh.at[pl.ds(sid * ROWS_PER_SUB, ROWS_PER_SUB)])

        plsc.subcore_barrier()

        @pl.loop(0, 2)
        def _(h):
            @pl.when(h > 0)
            def _():
                pltpu.sync_copy(
                    idx_hbm.at[pl.ds(w * 4 * CH_HALF + h * 2 * CH_HALF,
                                     2 * CH_HALF)],
                    idx_v)
                pltpu.async_copy(tab_hbm.at[idx_v.at[0, 0]], rows2.at[0],
                                 sem2.at[0])
                pltpu.async_copy(tab_hbm.at[idx_v.at[2, 0]], rows2.at[1],
                                 sem2.at[1])

            @pl.loop(0, CH_HALF)
            def _(j):
                b = lax.rem(j, 2)
                jp = jnp.minimum(j + 2, CH_HALF - 1)
                pltpu.make_async_copy(tab_hbm.at[idx_v.at[2 * j, 0]],
                                      rows2.at[b], sem2.at[b]).wait()
                cdma = pltpu.async_copy(ones_v, cnt_sh.at[idx_v.at[2 * j + 1, 0]],
                                        sem_c, add=True)
                pltpu.sync_copy(rows2.at[b], acc_sh.at[idx_v.at[2 * j + 1, 0]],
                                add=True)
                pltpu.async_copy(tab_hbm.at[idx_v.at[2 * jp, 0]], rows2.at[b],
                                 sem2.at[b])
                cdma.wait()

            pltpu.make_async_copy(tab_hbm.at[idx_v.at[0, 0]], rows2.at[0],
                                  sem2.at[0]).wait()
            pltpu.make_async_copy(tab_hbm.at[idx_v.at[0, 0]], rows2.at[1],
                                  sem2.at[1]).wait()

        plsc.subcore_barrier()

        pltpu.sync_copy(acc_sh.at[pl.ds(sid * ROWS_PER_SUB, ROWS_PER_SUB)],
                        agg_hbm.at[cid, pl.ds(sid * ROWS_PER_SUB, ROWS_PER_SUB)])
        pltpu.sync_copy(cnt_sh.at[pl.ds(sid * ROWS_PER_SUB, ROWS_PER_SUB)],
                        cnt_hbm.at[cid, pl.ds(sid * ROWS_PER_SUB, ROWS_PER_SUB)])

    npadidx = jnp.arange(E2 - E, dtype=jnp.int32)
    src_p = jnp.concatenate([src, npadidx % N]).reshape(E2 // CHUNK, CHUNK)
    dst_p = jnp.concatenate([dst, N + npadidx % (NPAD - N)]
                            ).reshape(E2 // CHUNK, CHUNK)
    idx_p = jnp.stack([src_p, dst_p],
                      axis=1).reshape(2 * E2 // CHUNK, 1, CHUNK)
    return seg_kernel(table, idx_p)


def _matT(a, w):
    return lax.dot_general(a, w, (((1,), (1,)), ((), ())),
                           preferred_element_type=jnp.float32)


def _stage_a(x, W0l):
    def body(x_ref, w_ref, o_ref):
        o_ref[...] = _matT(x_ref[...], w_ref[...])

    return pl.pallas_call(
        body,
        grid=(GRID,),
        in_specs=[pl.BlockSpec((BR, D), lambda i: (i, 0)),
                  pl.BlockSpec((D, D), lambda i: (0, 0))],
        out_specs=pl.BlockSpec((BR, D), lambda i: (i, 0)),
        out_shape=jax.ShapeDtypeStruct((N, D), jnp.float32),
    )(x, W0l)


def _stage_b(agg, cnt, x, W0r, b0l, W1l):
    def body(agg_ref, cnt_ref, x_ref, w0r_ref, b0l_ref, w1l_ref, h_ref, hp_ref):
        a = agg_ref[0] + agg_ref[1]
        c = jnp.maximum(cnt_ref[0] + cnt_ref[1], 1.0)
        h = jnp.maximum(a / c + b0l_ref[...] + _matT(x_ref[...], w0r_ref[...]),
                        0.0)
        h_ref[...] = h
        hp_ref[...] = _matT(h, w1l_ref[...])

    return pl.pallas_call(
        body,
        grid=(GRID,),
        in_specs=[pl.BlockSpec((NCORE, BR, D), lambda i: (0, i, 0)),
                  pl.BlockSpec((NCORE, BR, 1), lambda i: (0, i, 0)),
                  pl.BlockSpec((BR, D), lambda i: (i, 0)),
                  pl.BlockSpec((D, D), lambda i: (0, 0)),
                  pl.BlockSpec((1, D), lambda i: (0, 0)),
                  pl.BlockSpec((D, D), lambda i: (0, 0))],
        out_specs=[pl.BlockSpec((BR, D), lambda i: (i, 0)),
                   pl.BlockSpec((BR, D), lambda i: (i, 0))],
        out_shape=[jax.ShapeDtypeStruct((N, D), jnp.float32),
                   jax.ShapeDtypeStruct((N, D), jnp.float32)],
    )(agg, cnt.reshape(NCORE, NPAD, 1), x, W0r, b0l.reshape(1, D), W1l)


def _stage_c(agg, cnt, h, W1r, b1l, Wp1, bp1, Wp2, bp2, Wc1, bc1, Wc2, bc2):
    def body(agg_ref, cnt_ref, h_ref, w1r_ref, b1l_ref, wp1_ref, bp1_ref,
             wp2_ref, bp2_ref, wc1_ref, bc1_ref, wc2_ref, bc2_ref, o_ref):
        a = agg_ref[0] + agg_ref[1]
        c = jnp.maximum(cnt_ref[0] + cnt_ref[1], 1.0)
        h2 = a / c + b1l_ref[...] + _matT(h_ref[...], w1r_ref[...])
        m = jnp.max(h2, axis=1, keepdims=True)
        lse = jnp.log(jnp.sum(jnp.exp(h2 - m), axis=1, keepdims=True)) + m
        e = h2 - lse
        p = jnp.maximum(_matT(e, wp1_ref[...]) + bp1_ref[...], 0.0)
        p = _matT(p, wp2_ref[...]) + bp2_ref[...]
        q = jnp.maximum(_matT(p, wc1_ref[...]) + bc1_ref[...], 0.0)
        o_ref[...] = (jnp.sum(q * wc2_ref[...], axis=1, keepdims=True)
                      + bc2_ref[...])

    full = lambda shape: pl.BlockSpec(shape, lambda i: tuple(0 for _ in shape))
    return pl.pallas_call(
        body,
        grid=(GRID,),
        in_specs=[pl.BlockSpec((NCORE, BR, D), lambda i: (0, i, 0)),
                  pl.BlockSpec((NCORE, BR, 1), lambda i: (0, i, 0)),
                  pl.BlockSpec((BR, D), lambda i: (i, 0)),
                  full((D, D)), full((1, D)),
                  full((D, D)), full((1, D)),
                  full((D, D)), full((1, D)),
                  full((32, D)), full((1, 32)),
                  full((1, 32)), full((1, 1))],
        out_specs=pl.BlockSpec((BR, 1), lambda i: (i, 0)),
        out_shape=jax.ShapeDtypeStruct((N, 1), jnp.float32),
    )(agg, cnt.reshape(NCORE, NPAD, 1), h, W1r, b1l.reshape(1, D),
      Wp1, bp1.reshape(1, D), Wp2, bp2.reshape(1, D), Wc1, bc1.reshape(1, 32),
      Wc2, bc2.reshape(1, 1))


def kernel(x, edge_index0, edge_index1, W0l, b0l, W0r, W1l, b1l, W1r,
           Wp1, bp1, Wp2, bp2, Wc1, bc1, Wc2, bc2):
    xp0 = _stage_a(x, W0l)
    agg0, cnt0 = _segment_sum_sc(xp0, edge_index0[0], edge_index0[1])
    h, hp1 = _stage_b(agg0, cnt0, x, W0r, b0l, W1l)
    agg1, cnt1 = _segment_sum_sc(hp1, edge_index1[0], edge_index1[1])
    return _stage_c(agg1, cnt1, h, W1r, b1l, Wp1, bp1, Wp2, bp2,
                    Wc1, bc1, Wc2, bc2)

# --- scband reference (transcript-rebuilt; emitter-appended) ---
"""Pipeline reference for scband-train-model-27925877358676 (READ-ONLY COPY).

The authoritative reference and input builder live on the scoring server;
editing this copy changes nothing except your own understanding.
"""

import jax, jax.numpy as jnp
import numpy as np

N = 10000
E = 320000
D_IN = 128
D_H = 128
D_CLF = 32


def setup_inputs(seed: int = 0) -> dict:
    key = jax.random.key(seed)
    ks = jax.random.split(key, 20)
    inp = {}
    inp['x'] = jax.random.normal(ks[0], (N, D_IN), dtype=jnp.float32)
    inp['edge_index0'] = jax.random.randint(ks[1], (2, E), 0, N, dtype=jnp.int32)
    inp['edge_index1'] = jax.random.randint(ks[2], (2, E), 0, N, dtype=jnp.int32)
    # SAGEConv layer 0 (in -> hidden): lin_l (with bias) on aggregated neighbors, lin_r (no bias) on root
    inp['W0l'] = jax.random.normal(ks[3], (D_H, D_IN), dtype=jnp.float32) * 0.05
    inp['b0l'] = jnp.zeros((D_H,), dtype=jnp.float32)
    inp['W0r'] = jax.random.normal(ks[4], (D_H, D_IN), dtype=jnp.float32) * 0.05
    # SAGEConv layer 1 (hidden -> hidden)
    inp['W1l'] = jax.random.normal(ks[5], (D_H, D_H), dtype=jnp.float32) * 0.05
    inp['b1l'] = jnp.zeros((D_H,), dtype=jnp.float32)
    inp['W1r'] = jax.random.normal(ks[6], (D_H, D_H), dtype=jnp.float32) * 0.05
    # proj MLP(ebd_dim, ebd_dim, ebd_dim)
    inp['Wp1'] = jax.random.normal(ks[7], (D_H, D_H), dtype=jnp.float32) * 0.05
    inp['bp1'] = jnp.zeros((D_H,), dtype=jnp.float32)
    inp['Wp2'] = jax.random.normal(ks[8], (D_H, D_H), dtype=jnp.float32) * 0.05
    inp['bp2'] = jnp.zeros((D_H,), dtype=jnp.float32)
    # clf MLP(ebd_dim, 32, 1)
    inp['Wc1'] = jax.random.normal(ks[9], (D_CLF, D_H), dtype=jnp.float32) * 0.05
    inp['bc1'] = jnp.zeros((D_CLF,), dtype=jnp.float32)
    inp['Wc2'] = jax.random.normal(ks[10], (1, D_CLF), dtype=jnp.float32) * 0.05
    inp['bc2'] = jnp.zeros((1,), dtype=jnp.float32)
    return inp


def _sage_conv(x_src, x_tgt, edge_index, Wl, bl, Wr):
    src = edge_index[0]
    dst = edge_index[1]
    n_tgt = x_tgt.shape[0]
    msgs = jnp.take(x_src, src, axis=0)
    agg = jax.ops.segment_sum(msgs, dst, num_segments=n_tgt)
    cnt = jax.ops.segment_sum(jnp.ones((msgs.shape[0],), dtype=x_src.dtype), dst, num_segments=n_tgt)
    mean = agg / jnp.clip(cnt, 1.0)[:, None]
    return mean @ Wl.T + bl + x_tgt @ Wr.T


def reference(x, edge_index0, edge_index1, W0l, b0l, W0r, W1l, b1l, W1r, Wp1, bp1, Wp2, bp2, Wc1, bc1, Wc2, bc2):
    # GraphSAGE encoder (eval mode: dropout = identity). size = (N, N) for both hops,
    # so x_target = x[:N] = x (full-graph bipartite message passing).
    h = _sage_conv(x, x, edge_index0, W0l, b0l, W0r)
    h = jax.nn.relu(h)
    h = _sage_conv(h, h, edge_index1, W1l, b1l, W1r)
    # output_type='ebds' != 'ebd' -> encoder returns log_softmax
    ebds = jax.nn.log_softmax(h, axis=-1)
    # ppr_matrix is None -> proj then clf
    p = jax.nn.relu(ebds @ Wp1.T + bp1) @ Wp2.T + bp2
    logits = jax.nn.relu(p @ Wc1.T + bc1) @ Wc2.T + bc2
    return logits

if __name__ == "__main__":
    import jax
    _d = setup_inputs()
    print(jax.jit(kernel)(*tuple(_d.values())))

</pallas_src>

<mosaic_0001>
#map = affine_map<(d0, d1) -> (0, 0)>
#map1 = affine_map<(d0, d1) -> (0, 0, 0)>
module attributes {stable_mosaic.version = 14 : i64} {
  func.func @seg_kernel(%arg0: i32, %arg1: i32, %arg2: memref<10000x128xf32, #tpu.memory_space<hbm>>, %arg3: memref<5120x1x128xi32, #tpu.memory_space<hbm>>, %arg4: memref<2x10240x128xf32, #tpu.memory_space<hbm>>, %arg5: memref<2x10240xf32, #tpu.memory_space<hbm>>, %arg6: memref<80x1x128xi32, #tpu.memory_space<vmem>>, %arg7: memref<2x128x128xf32, #tpu.memory_space<vmem>>, %arg8: memref<128xf32, #tpu.memory_space<vmem>>, %arg9: memref<32x128xf32, #tpu.memory_space<vmem>>, %arg10: memref<640xf32, #tpu.memory_space<vmem>>, %arg11: memref<10240x128xf32, #tpu.memory_space<vmem_shared>>, %arg12: memref<10240xf32, #tpu.memory_space<vmem_shared>>, %arg13: memref<2x!tpu.dma_semaphore, #tpu.memory_space<semaphore_mem>>, %arg14: memref<!tpu.dma_semaphore, #tpu.memory_space<semaphore_mem>>) attributes {dimension_semantics = [#tpu.dimension_semantics<core_parallel>, #tpu.dimension_semantics<subcore_parallel>], iteration_bounds = array<i64: 2, 16>, scalar_prefetch = 0 : i64, scratch_operands = 9 : i64, tpu.core_type = #tpu.core_type<sc_vector_subcore>, window_params = [{transform_indices = #map}, {transform_indices = #map1}, {transform_indices = #map1}, {transform_indices = #map}]} {
    %mul3A = arith.constant 16 : i32
    %mul3A_0 = arith.muli %arg0, %mul3A : i32
    %add3A = arith.addi %mul3A_0, %arg1 : i32
    %scan3A = arith.constant 0 : i32
    %scan3A_1 = arith.constant 32 : i32
    %scan3A_2 = arith.addi %scan3A, %scan3A_1 : i32
    %scan3A_3 = arith.constant 1 : i32
    scf.for %scan3A_71 = %scan3A to %scan3A_2 step %scan3A_3  : i32 {
      %mul3A_72 = arith.constant 1 : i32
      %mul3A_73 = arith.muli %scan3A_71, %mul3A_72 : i32
      %add3A_74 = arith.constant 0 : i32
      %add3A_75 = arith.addi %add3A_74, %mul3A_73 : i32
      %scan3A_76 = arith.constant 0 : i32
      %scan3A_77 = arith.constant 8 : i32
      %scan3A_78 = arith.addi %scan3A_76, %scan3A_77 : i32
      %scan3A_79 = arith.constant 1 : i32
      scf.for %scan3A_81 = %scan3A_76 to %scan3A_78 step %scan3A_79  : i32 {
        %mul3A_82 = arith.constant 16 : i32
        %mul3A_83 = arith.muli %scan3A_81, %mul3A_82 : i32
        %add3A_84 = arith.constant 0 : i32
        %add3A_85 = arith.addi %add3A_84, %mul3A_83 : i32
        %broadcast_in_dim3A = arith.constant 0.000000e+00 : f32
        %broadcast_in_dim3A_86 = vector.broadcast %broadcast_in_dim3A : f32 to vector<16xf32>
        %swap3A = arith.index_cast %add3A_75 : i32 to index
        %swap3A_87 = arith.index_cast %add3A_85 : i32 to index
        %swap3A_88 = tpu.vector_load %arg9[%swap3A, %swap3A_87] {strides = array<i32>} : memref<32x128xf32, #tpu.memory_space<vmem>>, vector<1x16xf32>,
        %swap3A_89 = vector.shape_cast %swap3A_88 : vector<1x16xf32> to vector<16xf32>
        %swap3A_90 = vector.shape_cast %broadcast_in_dim3A_86 : vector<16xf32> to vector<1x16xf32>
        tpu.vector_store %arg9[%swap3A, %swap3A_87], %swap3A_90 {strides = array<i32>} : memref<32x128xf32, #tpu.memory_space<vmem>>, vector<1x16xf32>,
      }
      %scan3A_80 = arith.constant 8 : i32
    }
    %scan3A_4 = arith.constant 32 : i32
    %scan3A_5 = arith.constant 0 : i32
    %scan3A_6 = arith.constant 40 : i32
    %scan3A_7 = arith.addi %scan3A_5, %scan3A_6 : i32
    %scan3A_8 = arith.constant 1 : i32
    scf.for %scan3A_71 = %scan3A_5 to %scan3A_7 step %scan3A_8  : i32 {
      %mul3A_72 = arith.constant 16 : i32
      %mul3A_73 = arith.muli %scan3A_71, %mul3A_72 : i32
      %add3A_74 = arith.constant 0 : i32
      %add3A_75 = arith.addi %add3A_74, %mul3A_73 : i32
      %broadcast_in_dim3A = arith.constant 0.000000e+00 : f32
      %broadcast_in_dim3A_76 = vector.broadcast %broadcast_in_dim3A : f32 to vector<16xf32>
      %swap3A = arith.index_cast %add3A_75 : i32 to index
      %swap3A_77 = tpu.vector_load %arg10[%swap3A] {strides = array<i32>} : memref<640xf32, #tpu.memory_space<vmem>>, vector<16xf32>,
      %swap3A_78 = vector.shape_cast %swap3A_77 : vector<16xf32> to vector<16xf32>
      %swap3A_79 = vector.shape_cast %broadcast_in_dim3A_76 : vector<16xf32> to vector<16xf32>
      tpu.vector_store %arg10[%swap3A], %swap3A_79 {strides = array<i32>} : memref<640xf32, #tpu.memory_space<vmem>>, vector<16xf32>,
    }
    %scan3A_9 = arith.constant 40 : i32
    %scan3A_10 = arith.constant 0 : i32
    %scan3A_11 = arith.constant 8 : i32
    %scan3A_12 = arith.addi %scan3A_10, %scan3A_11 : i32
    %scan3A_13 = arith.constant 1 : i32
    scf.for %scan3A_71 = %scan3A_10 to %scan3A_12 step %scan3A_13  : i32 {
      %mul3A_72 = arith.constant 16 : i32
      %mul3A_73 = arith.muli %scan3A_71, %mul3A_72 : i32
      %add3A_74 = arith.constant 0 : i32
      %add3A_75 = arith.addi %add3A_74, %mul3A_73 : i32
      %broadcast_in_dim3A = arith.constant 1.000000e+00 : f32
      %broadcast_in_dim3A_76 = vector.broadcast %broadcast_in_dim3A : f32 to vector<16xf32>
      %swap3A = arith.index_cast %add3A_75 : i32 to index
      %swap3A_77 = tpu.vector_load %arg8[%swap3A] {strides = array<i32>} : memref<128xf32, #tpu.memory_space<vmem>>, vector<16xf32>,
      %swap3A_78 = vector.shape_cast %swap3A_77 : vector<16xf32> to vector<16xf32>
      %swap3A_79 = vector.shape_cast %broadcast_in_dim3A_76 : vector<16xf32> to vector<16xf32>
      tpu.vector_store %arg8[%swap3A], %swap3A_79 {strides = array<i32>} : memref<128xf32, #tpu.memory_space<vmem>>, vector<16xf32>,
    }
    %scan3A_14 = arith.constant 8 : i32
    %mul3A_15 = arith.constant 4 : i32
    %mul3A_16 = arith.muli %add3A, %mul3A_15 : i32
    %mul3A_17 = arith.constant 40 : i32
    %mul3A_18 = arith.muli %mul3A_16, %mul3A_17 : i32
    "tpu.region"() ({
      %run_scoped3A = tpu.sem_alloc : memref<!tpu.dma_semaphore, #tpu.memory_space<semaphore_mem>>
      %dma_start3A_71 = arith.constant 0 : i32
      %dma_start3A_72 = arith.constant 0 : i32
      %dma_start3A_73 = tpu.memref_slice %arg3[%mul3A_18, %dma_start3A_71, %dma_start3A_72] : memref<5120x1x128xi32, #tpu.memory_space<hbm>> -> memref<80x1x128xi32, #tpu.memory_space<hbm>>
      %dma_start3A_74 = arith.constant 0 : i32
      %dma_start3A_75 = arith.constant 0 : i32
      %dma_start3A_76 = tpu.memref_slice %arg3[%mul3A_18, %dma_start3A_74, %dma_start3A_75] : memref<5120x1x128xi32, #tpu.memory_space<hbm>> -> memref<80x1x128xi32, #tpu.memory_space<hbm>>
      tpu.enqueue_dma source(%dma_start3A_76 : memref<80x1x128xi32, #tpu.memory_space<hbm>>) target(%arg6 : memref<80x1x128xi32, #tpu.memory_space<vmem>>) target_semaphore(%run_scoped3A : memref<!tpu.dma_semaphore, #tpu.memory_space<semaphore_mem>>)
      %dma_wait3A = arith.constant 0 : i32
      %dma_wait3A_77 = arith.constant 0 : i32
      %dma_wait3A_78 = tpu.memref_slice %arg3[%mul3A_18, %dma_wait3A, %dma_wait3A_77] : memref<5120x1x128xi32, #tpu.memory_space<hbm>> -> memref<80x1x128xi32, #tpu.memory_space<hbm>>
      %dma_wait3A_79 = arith.constant 0 : i32
      %dma_wait3A_80 = arith.constant 0 : i32
      %dma_wait3A_81 = tpu.memref_slice %arg3[%mul3A_18, %dma_wait3A_79, %dma_wait3A_80] : memref<5120x1x128xi32, #tpu.memory_space<hbm>> -> memref<80x1x128xi32, #tpu.memory_space<hbm>>
      tpu.wait_dma2 semaphore(%run_scoped3A : memref<!tpu.dma_semaphore, #tpu.memory_space<semaphore_mem>>) src(%dma_wait3A_81 : memref<80x1x128xi32, #tpu.memory_space<hbm>>) dst(%arg6 : memref<80x1x128xi32, #tpu.memory_space<vmem>>)
      tpu.yield
    }) : () -> ()
    %dma_start3A = arith.constant 0 : i32
    %dma_start3A_19 = arith.constant 0 : i32
    %dma_start3A_20 = arith.constant 0 : i32
    %dma_start3A_21 = arith.constant 0 : i32
    %dma_start3A_22 = arith.constant 0 : i32
    %dma_start3A_23 = arith.constant 0 : i32
    %dma_start3A_24 = tpu.memref_slice %arg7[%dma_start3A_20, %dma_start3A_22, %dma_start3A_23] : memref<2x128x128xf32, #tpu.memory_space<vmem>> -> memref<1x128x128xf32, #tpu.memory_space<vmem>>
    %dma_start3A_25 = tpu.memref_squeeze %dma_start3A_24 : memref<1x128x128xf32, #tpu.memory_space<vmem>> -> memref<128x128xf32, #tpu.memory_space<vmem>>
    %dma_start3A_26 = arith.constant 0 : i32
    %dma_start3A_27 = tpu.memref_slice %arg6[%dma_start3A, %dma_start3A_19, %dma_start3A_26] : memref<80x1x128xi32, #tpu.memory_space<vmem>> -> memref<1x1x128xi32, #tpu.memory_space<vmem>>
    %dma_start3A_28 = tpu.memref_squeeze %dma_start3A_27 : memref<1x1x128xi32, #tpu.memory_space<vmem>> -> memref<128xi32, #tpu.memory_space<vmem>>
    %dma_start3A_29 = arith.constant 0 : i32
    %dma_start3A_30 = arith.constant 0 : i32
    %dma_start3A_31 = tpu.memref_slice %arg2[%dma_start3A_29, %dma_start3A_30] : memref<10000x128xf32, #tpu.memory_space<hbm>> -> memref<10000x128xf32, #tpu.memory_space<hbm>>
    %dma_start3A_32 = tpu.memref_slice %arg13[%dma_start3A_21] : memref<2x!tpu.dma_semaphore, #tpu.memory_space<semaphore_mem>> -> memref<1x!tpu.dma_semaphore, #tpu.memory_space<semaphore_mem>>
    %dma_start3A_33 = tpu.memref_squeeze %dma_start3A_32 : memref<1x!tpu.dma_semaphore, #tpu.memory_space<semaphore_mem>> -> memref<!tpu.dma_semaphore, #tpu.memory_space<semaphore_mem>>
    tpu.enqueue_indirect_dma source(%dma_start3A_31 : memref<10000x128xf32, #tpu.memory_space<hbm>>) target(%dma_start3A_25 : memref<128x128xf32, #tpu.memory_space<vmem>>) offsets(%dma_start3A_28 : memref<128xi32, #tpu.memory_space<vmem>>) semaphore(%dma_start3A_33 : memref<!tpu.dma_semaphore, #tpu.memory_space<semaphore_mem>>)
    %dma_start3A_34 = arith.constant 2 : i32
    %dma_start3A_35 = arith.constant 0 : i32
    %dma_start3A_36 = arith.constant 1 : i32
    %dma_start3A_37 = arith.constant 1 : i32
    %dma_start3A_38 = arith.constant 0 : i32
    %dma_start3A_39 = arith.constant 0 : i32
    %dma_start3A_40 = tpu.memref_slice %arg7[%dma_start3A_36, %dma_start3A_38, %dma_start3A_39] : memref<2x128x128xf32, #tpu.memory_space<vmem>> -> memref<1x128x128xf32, #tpu.memory_space<vmem>>
    %dma_start3A_41 = tpu.memref_squeeze %dma_start3A_40 : memref<1x128x128xf32, #tpu.memory_space<vmem>> -> memref<128x128xf32, #tpu.memory_space<vmem>>
    %dma_start3A_42 = arith.constant 0 : i32
    %dma_start3A_43 = tpu.memref_slice %arg6[%dma_start3A_34, %dma_start3A_35, %dma_start3A_42] : memref<80x1x128xi32, #tpu.memory_space<vmem>> -> memref<1x1x128xi32, #tpu.memory_space<vmem>>
    %dma_start3A_44 = tpu.memref_squeeze %dma_start3A_43 : memref<1x1x128xi32, #tpu.memory_space<vmem>> -> memref<128xi32, #tpu.memory_space<vmem>>
    %dma_start3A_45 = arith.constant 0 : i32
    %dma_start3A_46 = arith.constant 0 : i32
    %dma_start3A_47 = tpu.memref_slice %arg2[%dma_start3A_45, %dma_start3A_46] : memref<10000x128xf32, #tpu.memory_space<hbm>> -> memref<10000x128xf32, #tpu.memory_space<hbm>>
    %dma_start3A_48 = tpu.memref_slice %arg13[%dma_start3A_37] : memref<2x!tpu.dma_semaphore, #tpu.memory_space<semaphore_mem>> -> memref<1x!tpu.dma_semaphore, #tpu.memory_space<semaphore_mem>>
    %dma_start3A_49 = tpu.memref_squeeze %dma_start3A_48 : memref<1x!tpu.dma_semaphore, #tpu.memory_space<semaphore_mem>> -> memref<!tpu.dma_semaphore, #tpu.memory_space<semaphore_mem>>
    tpu.enqueue_indirect_dma source(%dma_start3A_47 : memref<10000x128xf32, #tpu.memory_space<hbm>>) target(%dma_start3A_41 : memref<128x128xf32, #tpu.memory_space<vmem>>) offsets(%dma_start3A_44 : memref<128xi32, #tpu.memory_space<vmem>>) semaphore(%dma_start3A_49 : memref<!tpu.dma_semaphore, #tpu.memory_space<semaphore_mem>>)
    %scan3A_50 = arith.constant 0 : i32
    %scan3A_51 = arith.constant 20 : i32
    %scan3A_52 = arith.addi %scan3A_50, %scan3A_51 : i32
    %scan3A_53 = arith.constant 1 : i32
    scf.for %scan3A_71 = %scan3A_50 to %scan3A_52 step %scan3A_53  : i32 {
      %mul3A_72 = arith.constant 1 : i32
      %mul3A_73 = arith.muli %scan3A_71, %mul3A_72 : i32
      %add3A_74 = arith.constant 0 : i32
      %add3A_75 = arith.addi %add3A_74, %mul3A_73 : i32
      %mul3A_76 = arith.constant 640 : i32
      %mul3A_77 = arith.muli %arg1, %mul3A_76 : i32
      %mul3A_78 = arith.constant 32 : i32
      %mul3A_79 = arith.muli %add3A_75, %mul3A_78 : i32
      %add3A_80 = arith.addi %mul3A_77, %mul3A_79 : i32
      "tpu.region"() ({
        %run_scoped3A = tpu.sem_alloc : memref<!tpu.dma_semaphore, #tpu.memory_space<semaphore_mem>>
        %dma_start3A_81 = arith.constant 0 : i32
        %dma_start3A_82 = tpu.memref_slice %arg11[%add3A_80, %dma_start3A_81] : memref<10240x128xf32, #tpu.memory_space<vmem_shared>> -> memref<32x128xf32, #tpu.memory_space<vmem_shared>>
        %dma_start3A_83 = arith.constant 0 : i32
        %dma_start3A_84 = tpu.memref_slice %arg11[%add3A_80, %dma_start3A_83] : memref<10240x128xf32, #tpu.memory_space<vmem_shared>> -> memref<32x128xf32, #tpu.memory_space<vmem_shared>>
        tpu.enqueue_dma source(%arg9 : memref<32x128xf32, #tpu.memory_space<vmem>>) target(%dma_start3A_84 : memref<32x128xf32, #tpu.memory_space<vmem_shared>>) target_semaphore(%run_scoped3A : memref<!tpu.dma_semaphore, #tpu.memory_space<semaphore_mem>>)
        %dma_wait3A = arith.constant 0 : i32
        %dma_wait3A_85 = tpu.memref_slice %arg11[%add3A_80, %dma_wait3A] : memref<10240x128xf32, #tpu.memory_space<vmem_shared>> -> memref<32x128xf32, #tpu.memory_space<vmem_shared>>
        %dma_wait3A_86 = arith.constant 0 : i32
        %dma_wait3A_87 = tpu.memref_slice %arg11[%add3A_80, %dma_wait3A_86] : memref<10240x128xf32, #tpu.memory_space<vmem_shared>> -> memref<32x128xf32, #tpu.memory_space<vmem_shared>>
        tpu.wait_dma2 semaphore(%run_scoped3A : memref<!tpu.dma_semaphore, #tpu.memory_space<semaphore_mem>>) src(%arg9 : memref<32x128xf32, #tpu.memory_space<vmem>>) dst(%dma_wait3A_87 : memref<32x128xf32, #tpu.memory_space<vmem_shared>>)
        tpu.yield
      }) : () -> ()
    }
    %scan3A_54 = arith.constant 20 : i32
    %mul3A_55 = arith.constant 640 : i32
    %mul3A_56 = arith.muli %arg1, %mul3A_55 : i32
    "tpu.region"() ({
      %run_scoped3A = tpu.sem_alloc : memref<!tpu.dma_semaphore, #tpu.memory_space<semaphore_mem>>
      %dma_start3A_71 = tpu.memref_slice %arg12[%mul3A_56] : memref<10240xf32, #tpu.memory_space<vmem_shared>> -> memref<640xf32, #tpu.memory_space<vmem_shared>>
      %dma_start3A_72 = tpu.memref_slice %arg12[%mul3A_56] : memref<10240xf32, #tpu.memory_space<vmem_shared>> -> memref<640xf32, #tpu.memory_space<vmem_shared>>
      tpu.enqueue_dma source(%arg10 : memref<640xf32, #tpu.memory_space<vmem>>) target(%dma_start3A_72 : memref<640xf32, #tpu.memory_space<vmem_shared>>) target_semaphore(%run_scoped3A : memref<!tpu.dma_semaphore, #tpu.memory_space<semaphore_mem>>)
      %dma_wait3A = tpu.memref_slice %arg12[%mul3A_56] : memref<10240xf32, #tpu.memory_space<vmem_shared>> -> memref<640xf32, #tpu.memory_space<vmem_shared>>
      %dma_wait3A_73 = tpu.memref_slice %arg12[%mul3A_56] : memref<10240xf32, #tpu.memory_space<vmem_shared>> -> memref<640xf32, #tpu.memory_space<vmem_shared>>
      tpu.wait_dma2 semaphore(%run_scoped3A : memref<!tpu.dma_semaphore, #tpu.memory_space<semaphore_mem>>) src(%arg10 : memref<640xf32, #tpu.memory_space<vmem>>) dst(%dma_wait3A_73 : memref<640xf32, #tpu.memory_space<vmem_shared>>)
      tpu.yield
    }) : () -> ()
    %barrier3A = arith.constant 0 : index
    tpu.barrier barrier_id(%barrier3A)
    %scan3A_57 = arith.constant 0 : i32
    %scan3A_58 = arith.constant 2 : i32
    %scan3A_59 = arith.addi %scan3A_57, %scan3A_58 : i32
    %scan3A_60 = arith.constant 1 : i32
    scf.for %scan3A_71 = %scan3A_57 to %scan3A_59 step %scan3A_60  : i32 {
      %mul3A_72 = arith.constant 1 : i32
      %mul3A_73 = arith.muli %scan3A_71, %mul3A_72 : i32
      %add3A_74 = arith.constant 0 : i32
      %add3A_75 = arith.addi %add3A_74, %mul3A_73 : i32
      %gt3A = arith.constant 0 : i32
      %gt3A_76 = arith.cmpi sgt, %add3A_75, %gt3A : i32
      %convert_element_type3A = arith.extui %gt3A_76 : i1 to i32
      %cond3A = arith.constant 0 : i32
      %cond3A_77 = arith.cmpi ne, %convert_element_type3A, %cond3A : i32
      scf.if %cond3A_77 {
        %mul3A_114 = arith.constant 4 : i32
        %mul3A_115 = arith.muli %add3A, %mul3A_114 : i32
        %mul3A_116 = arith.constant 40 : i32
        %mul3A_117 = arith.muli %mul3A_115, %mul3A_116 : i32
        %mul3A_118 = arith.constant 2 : i32
        %mul3A_119 = arith.muli %add3A_75, %mul3A_118 : i32
        %mul3A_120 = arith.constant 40 : i32
        %mul3A_121 = arith.muli %mul3A_119, %mul3A_120 : i32
        %add3A_122 = arith.addi %mul3A_117, %mul3A_121 : i32
        "tpu.region"() ({
          %run_scoped3A = tpu.sem_alloc : memref<!tpu.dma_semaphore, #tpu.memory_space<semaphore_mem>>
          %dma_start3A_155 = arith.constant 0 : i32
          %dma_start3A_156 = arith.constant 0 : i32
          %dma_start3A_157 = tpu.memref_slice %arg3[%add3A_122, %dma_start3A_155, %dma_start3A_156] : memref<5120x1x128xi32, #tpu.memory_space<hbm>> -> memref<80x1x128xi32, #tpu.memory_space<hbm>>
          %dma_start3A_158 = arith.constant 0 : i32
          %dma_start3A_159 = arith.constant 0 : i32
          %dma_start3A_160 = tpu.memref_slice %arg3[%add3A_122, %dma_start3A_158, %dma_start3A_159] : memref<5120x1x128xi32, #tpu.memory_space<hbm>> -> memref<80x1x128xi32, #tpu.memory_space<hbm>>
          tpu.enqueue_dma source(%dma_start3A_160 : memref<80x1x128xi32, #tpu.memory_space<hbm>>) target(%arg6 : memref<80x1x128xi32, #tpu.memory_space<vmem>>) target_semaphore(%run_scoped3A : memref<!tpu.dma_semaphore, #tpu.memory_space<semaphore_mem>>)
          %dma_wait3A_161 = arith.constant 0 : i32
          %dma_wait3A_162 = arith.constant 0 : i32
          %dma_wait3A_163 = tpu.memref_slice %arg3[%add3A_122, %dma_wait3A_161, %dma_wait3A_162] : memref<5120x1x128xi32, #tpu.memory_space<hbm>> -> memref<80x1x128xi32, #tpu.memory_space<hbm>>
          %dma_wait3A_164 = arith.constant 0 : i32
          %dma_wait3A_165 = arith.constant 0 : i32
          %dma_wait3A_166 = tpu.memref_slice %arg3[%add3A_122, %dma_wait3A_164, %dma_wait3A_165] : memref<5120x1x128xi32, #tpu.memory_space<hbm>> -> memref<80x1x128xi32, #tpu.memory_space<hbm>>
          tpu.wait_dma2 semaphore(%run_scoped3A : memref<!tpu.dma_semaphore, #tpu.memory_space<semaphore_mem>>) src(%dma_wait3A_166 : memref<80x1x128xi32, #tpu.memory_space<hbm>>) dst(%arg6 : memref<80x1x128xi32, #tpu.memory_space<vmem>>)
          tpu.yield
        }) : () -> ()
        %dma_start3A_123 = arith.constant 0 : i32
        %dma_start3A_124 = arith.constant 0 : i32
        %dma_start3A_125 = arith.constant 0 : i32
        %dma_start3A_126 = arith.constant 0 : i32
        %dma_start3A_127 = arith.constant 0 : i32
        %dma_start3A_128 = arith.constant 0 : i32
        %dma_start3A_129 = tpu.memref_slice %arg7[%dma_start3A_125, %dma_start3A_127, %dma_start3A_128] : memref<2x128x128xf32, #tpu.memory_space<vmem>> -> memref<1x128x128xf32, #tpu.memory_space<vmem>>
        %dma_start3A_130 = tpu.memref_squeeze %dma_start3A_129 : memref<1x128x128xf32, #tpu.memory_space<vmem>> -> memref<128x128xf32, #tpu.memory_space<vmem>>
        %dma_start3A_131 = arith.constant 0 : i32
        %dma_start3A_132 = tpu.memref_slice %arg6[%dma_start3A_123, %dma_start3A_124, %dma_start3A_131] : memref<80x1x128xi32, #tpu.memory_space<vmem>> -> memref<1x1x128xi32, #tpu.memory_space<vmem>>
        %dma_start3A_133 = tpu.memref_squeeze %dma_start3A_132 : memref<1x1x128xi32, #tpu.memory_space<vmem>> -> memref<128xi32, #tpu.memory_space<vmem>>
        %dma_start3A_134 = arith.constant 0 : i32
        %dma_start3A_135 = arith.constant 0 : i32
        %dma_start3A_136 = tpu.memref_slice %arg2[%dma_start3A_134, %dma_start3A_135] : memref<10000x128xf32, #tpu.memory_space<hbm>> -> memref<10000x128xf32, #tpu.memory_space<hbm>>
        %dma_start3A_137 = tpu.memref_slice %arg13[%dma_start3A_126] : memref<2x!tpu.dma_semaphore, #tpu.memory_space<semaphore_mem>> -> memref<1x!tpu.dma_semaphore, #tpu.memory_space<semaphore_mem>>
        %dma_start3A_138 = tpu.memref_squeeze %dma_start3A_137 : memref<1x!tpu.dma_semaphore, #tpu.memory_space<semaphore_mem>> -> memref<!tpu.dma_semaphore, #tpu.memory_space<semaphore_mem>>
        tpu.enqueue_indirect_dma source(%dma_start3A_136 : memref<10000x128xf32, #tpu.memory_space<hbm>>) target(%dma_start3A_130 : memref<128x128xf32, #tpu.memory_space<vmem>>) offsets(%dma_start3A_133 : memref<128xi32, #tpu.memory_space<vmem>>) semaphore(%dma_start3A_138 : memref<!tpu.dma_semaphore, #tpu.memory_space<semaphore_mem>>)
        %dma_start3A_139 = arith.constant 2 : i32
        %dma_start3A_140 = arith.constant 0 : i32
        %dma_start3A_141 = arith.constant 1 : i32
        %dma_start3A_142 = arith.constant 1 : i32
        %dma_start3A_143 = arith.constant 0 : i32
        %dma_start3A_144 = arith.constant 0 : i32
        %dma_start3A_145 = tpu.memref_slice %arg7[%dma_start3A_141, %dma_start3A_143, %dma_start3A_144] : memref<2x128x128xf32, #tpu.memory_space<vmem>> -> memref<1x128x128xf32, #tpu.memory_space<vmem>>
        %dma_start3A_146 = tpu.memref_squeeze %dma_start3A_145 : memref<1x128x128xf32, #tpu.memory_space<vmem>> -> memref<128x128xf32, #tpu.memory_space<vmem>>
        %dma_start3A_147 = arith.constant 0 : i32
        %dma_start3A_148 = tpu.memref_slice %arg6[%dma_start3A_139, %dma_start3A_140, %dma_start3A_147] : memref<80x1x128xi32, #tpu.memory_space<vmem>> -> memref<1x1x128xi32, #tpu.memory_space<vmem>>
        %dma_start3A_149 = tpu.memref_squeeze %dma_start3A_148 : memref<1x1x128xi32, #tpu.memory_space<vmem>> -> memref<128xi32, #tpu.memory_space<vmem>>
        %dma_start3A_150 = arith.constant 0 : i32
        %dma_start3A_151 = arith.constant 0 : i32
        %dma_start3A_152 = tpu.memref_slice %arg2[%dma_start3A_150, %dma_start3A_151] : memref<10000x128xf32, #tpu.memory_space<hbm>> -> memref<10000x128xf32, #tpu.memory_space<hbm>>
        %dma_start3A_153 = tpu.memref_slice %arg13[%dma_start3A_142] : memref<2x!tpu.dma_semaphore, #tpu.memory_space<semaphore_mem>> -> memref<1x!tpu.dma_semaphore, #tpu.memory_space<semaphore_mem>>
        %dma_start3A_154 = tpu.memref_squeeze %dma_start3A_153 : memref<1x!tpu.dma_semaphore, #tpu.memory_space<semaphore_mem>> -> memref<!tpu.dma_semaphore, #tpu.memory_space<semaphore_mem>>
        tpu.enqueue_indirect_dma source(%dma_start3A_152 : memref<10000x128xf32, #tpu.memory_space<hbm>>) target(%dma_start3A_146 : memref<128x128xf32, #tpu.memory_space<vmem>>) offsets(%dma_start3A_149 : memref<128xi32, #tpu.memory_space<vmem>>) semaphore(%dma_start3A_154 : memref<!tpu.dma_semaphore, #tpu.memory_space<semaphore_mem>>)
      } else {
      }
      %scan3A_78 = arith.constant 0 : i32
      %scan3A_79 = arith.constant 40 : i32
      %scan3A_80 = arith.addi %scan3A_78, %scan3A_79 : i32
      %scan3A_81 = arith.constant 1 : i32
      scf.for %scan3A_114 = %scan3A_78 to %scan3A_80 step %scan3A_81  : i32 {
        %mul3A_115 = arith.constant 1 : i32
        %mul3A_116 = arith.muli %scan3A_114, %mul3A_115 : i32
        %add3A_117 = arith.constant 0 : i32
        %add3A_118 = arith.addi %add3A_117, %mul3A_116 : i32
        %rem3A = arith.constant 2 : i32
        %rem3A_119 = arith.remsi %add3A_118, %rem3A : i32
        %add3A_120 = arith.constant 2 : i32
        %add3A_121 = arith.addi %add3A_118, %add3A_120 : i32
        %min3A = arith.constant 39 : i32
        %min3A_122 = arith.minsi %add3A_121, %min3A : i32
        %mul3A_123 = arith.constant 2 : i32
        %mul3A_124 = arith.muli %mul3A_123, %add3A_118 : i32
        %dma_wait3A_125 = arith.constant 0 : i32
        %dma_wait3A_126 = arith.constant 0 : i32
        %dma_wait3A_127 = arith.constant 0 : i32
        %dma_wait3A_128 = tpu.memref_slice %arg7[%rem3A_119, %dma_wait3A_126, %dma_wait3A_127] : memref<2x128x128xf32, #tpu.memory_space<vmem>> -> memref<1x128x128xf32, #tpu.memory_space<vmem>>
        %dma_wait3A_129 = tpu.memref_squeeze %dma_wait3A_128 : memref<1x128x128xf32, #tpu.memory_space<vmem>> -> memref<128x128xf32, #tpu.memory_space<vmem>>
        %dma_wait3A_130 = arith.constant 0 : i32
        %dma_wait3A_131 = tpu.memref_slice %arg6[%mul3A_124, %dma_wait3A_125, %dma_wait3A_130] : memref<80x1x128xi32, #tpu.memory_space<vmem>> -> memref<1x1x128xi32, #tpu.memory_space<vmem>>
        %dma_wait3A_132 = tpu.memref_squeeze %dma_wait3A_131 : memref<1x1x128xi32, #tpu.memory_space<vmem>> -> memref<128xi32, #tpu.memory_space<vmem>>
        %dma_wait3A_133 = arith.constant 0 : i32
        %dma_wait3A_134 = arith.constant 0 : i32
        %dma_wait3A_135 = tpu.memref_slice %arg2[%dma_wait3A_133, %dma_wait3A_134] : memref<10000x128xf32, #tpu.memory_space<hbm>> -> memref<10000x128xf32, #tpu.memory_space<hbm>>
        %dma_wait3A_136 = tpu.memref_slice %arg13[%rem3A_119] : memref<2x!tpu.dma_semaphore, #tpu.memory_space<semaphore_mem>> -> memref<1x!tpu.dma_semaphore, #tpu.memory_space<semaphore_mem>>
        %dma_wait3A_137 = tpu.memref_squeeze %dma_wait3A_136 : memref<1x!tpu.dma_semaphore, #tpu.memory_space<semaphore_mem>> -> memref<!tpu.dma_semaphore, #tpu.memory_space<semaphore_mem>>
        tpu.wait_indirect_dma semaphore(%dma_wait3A_137 : memref<!tpu.dma_semaphore, #tpu.memory_space<semaphore_mem>>) src(%dma_wait3A_135 : memref<10000x128xf32, #tpu.memory_space<hbm>>) dst(%dma_wait3A_129 : memref<128x128xf32, #tpu.memory_space<vmem>>)
        %mul3A_138 = arith.constant 2 : i32
        %mul3A_139 = arith.muli %mul3A_138, %add3A_118 : i32
        %add3A_140 = arith.constant 1 : i32
        %add3A_141 = arith.addi %mul3A_139, %add3A_140 : i32
        %dma_start3A_142 = arith.constant 0 : i32
        %dma_start3A_143 = arith.constant 0 : i32
        %dma_start3A_144 = tpu.memref_slice %arg6[%add3A_141, %dma_start3A_142, %dma_start3A_143] : memref<80x1x128xi32, #tpu.memory_space<vmem>> -> memref<1x1x128xi32, #tpu.memory_space<vmem>>
        %dma_start3A_145 = tpu.memref_squeeze %dma_start3A_144 : memref<1x1x128xi32, #tpu.memory_space<vmem>> -> memref<128xi32, #tpu.memory_space<vmem>>
        %dma_start3A_146 = arith.constant 0 : i32
        %dma_start3A_147 = tpu.memref_slice %arg12[%dma_start3A_146] : memref<10240xf32, #tpu.memory_space<vmem_shared>> -> memref<10240xf32, #tpu.memory_space<vmem_shared>>
        tpu.enqueue_indirect_dma source(%arg8 : memref<128xf32, #tpu.memory_space<vmem>>) target(%dma_start3A_147 : memref<10240xf32, #tpu.memory_space<vmem_shared>>) offsets(%dma_start3A_145 : memref<128xi32, #tpu.memory_space<vmem>>) semaphore(%arg14 : memref<!tpu.dma_semaphore, #tpu.memory_space<semaphore_mem>>) {add = true}
        %mul3A_148 = arith.constant 2 : i32
        %mul3A_149 = arith.muli %mul3A_148, %add3A_118 : i32
        %add3A_150 = arith.constant 1 : i32
        %add3A_151 = arith.addi %mul3A_149, %add3A_150 : i32
        %run_scoped3A = arith.constant 0 : i32
        "tpu.region"() ({
          %run_scoped3A_173 = tpu.sem_alloc : memref<!tpu.dma_semaphore, #tpu.memory_space<semaphore_mem>>
          %dma_start3A_174 = arith.constant 0 : i32
          %dma_start3A_175 = arith.constant 0 : i32
          %dma_start3A_176 = tpu.memref_slice %arg7[%rem3A_119, %dma_start3A_174, %dma_start3A_175] : memref<2x128x128xf32, #tpu.memory_space<vmem>> -> memref<1x128x128xf32, #tpu.memory_space<vmem>>
          %dma_start3A_177 = tpu.memref_squeeze %dma_start3A_176 : memref<1x128x128xf32, #tpu.memory_space<vmem>> -> memref<128x128xf32, #tpu.memory_space<vmem>>
          %dma_start3A_178 = arith.constant 0 : i32
          %dma_start3A_179 = tpu.memref_slice %arg6[%add3A_151, %run_scoped3A, %dma_start3A_178] : memref<80x1x128xi32, #tpu.memory_space<vmem>> -> memref<1x1x128xi32, #tpu.memory_space<vmem>>
          %dma_start3A_180 = tpu.memref_squeeze %dma_start3A_179 : memref<1x1x128xi32, #tpu.memory_space<vmem>> -> memref<128xi32, #tpu.memory_space<vmem>>
          %dma_start3A_181 = arith.constant 0 : i32
          %dma_start3A_182 = arith.constant 0 : i32
          %dma_start3A_183 = tpu.memref_slice %arg11[%dma_start3A_181, %dma_start3A_182] : memref<10240x128xf32, #tpu.memory_space<vmem_shared>> -> memref<10240x128xf32, #tpu.memory_space<vmem_shared>>
          tpu.enqueue_indirect_dma source(%dma_start3A_177 : memref<128x128xf32, #tpu.memory_space<vmem>>) target(%dma_start3A_183 : memref<10240x128xf32, #tpu.memory_space<vmem_shared>>) offsets(%dma_start3A_180 : memref<128xi32, #tpu.memory_space<vmem>>) semaphore(%run_scoped3A_173 : memref<!tpu.dma_semaphore, #tpu.memory_space<semaphore_mem>>) {add = true}
          %dma_wait3A_184 = arith.constant 0 : i32
          %dma_wait3A_185 = arith.constant 0 : i32
          %dma_wait3A_186 = tpu.memref_slice %arg7[%rem3A_119, %dma_wait3A_184, %dma_wait3A_185] : memref<2x128x128xf32, #tpu.memory_space<vmem>> -> memref<1x128x128xf32, #tpu.memory_space<vmem>>
          %dma_wait3A_187 = tpu.memref_squeeze %dma_wait3A_186 : memref<1x128x128xf32, #tpu.memory_space<vmem>> -> memref<128x128xf32, #tpu.memory_space<vmem>>
          %dma_wait3A_188 = arith.constant 0 : i32
          %dma_wait3A_189 = tpu.memref_slice %arg6[%add3A_151, %run_scoped3A, %dma_wait3A_188] : memref<80x1x128xi32, #tpu.memory_space<vmem>> -> memref<1x1x128xi32, #tpu.memory_space<vmem>>
          %dma_wait3A_190 = tpu.memref_squeeze %dma_wait3A_189 : memref<1x1x128xi32, #tpu.memory_space<vmem>> -> memref<128xi32, #tpu.memory_space<vmem>>
          %dma_wait3A_191 = arith.constant 0 : i32
          %dma_wait3A_192 = arith.constant 0 : i32
          %dma_wait3A_193 = tpu.memref_slice %arg11[%dma_wait3A_191, %dma_wait3A_192] : memref<10240x128xf32, #tpu.memory_space<vmem_shared>> -> memref<10240x128xf32, #tpu.memory_space<vmem_shared>>
          tpu.wait_indirect_dma semaphore(%run_scoped3A_173 : memref<!tpu.dma_semaphore, #tpu.memory_space<semaphore_mem>>) src(%dma_wait3A_187 : memref<128x128xf32, #tpu.memory_space<vmem>>) dst(%dma_wait3A_193 : memref<10240x128xf32, #tpu.memory_space<vmem_shared>>)
          tpu.yield
        }) : () -> ()
        %mul3A_152 = arith.constant 2 : i32
        %mul3A_153 = arith.muli %mul3A_152, %min3A_122 : i32
        %dma_start3A_154 = arith.constant 0 : i32
        %dma_start3A_155 = arith.constant 0 : i32
        %dma_start3A_156 = arith.constant 0 : i32
        %dma_start3A_157 = tpu.memref_slice %arg7[%rem3A_119, %dma_start3A_155, %dma_start3A_156] : memref<2x128x128xf32, #tpu.memory_space<vmem>> -> memref<1x128x128xf32, #tpu.memory_space<vmem>>
        %dma_start3A_158 = tpu.memref_squeeze %dma_start3A_157 : memref<1x128x128xf32, #tpu.memory_space<vmem>> -> memref<128x128xf32, #tpu.memory_space<vmem>>
        %dma_start3A_159 = arith.constant 0 : i32
        %dma_start3A_160 = tpu.memref_slice %arg6[%mul3A_153, %dma_start3A_154, %dma_start3A_159] : memref<80x1x128xi32, #tpu.memory_space<vmem>> -> memref<1x1x128xi32, #tpu.memory_space<vmem>>
        %dma_start3A_161 = tpu.memref_squeeze %dma_start3A_160 : memref<1x1x128xi32, #tpu.memory_space<vmem>> -> memref<128xi32, #tpu.memory_space<vmem>>
        %dma_start3A_162 = arith.constant 0 : i32
        %dma_start3A_163 = arith.constant 0 : i32
        %dma_start3A_164 = tpu.memref_slice %arg2[%dma_start3A_162, %dma_start3A_163] : memref<10000x128xf32, #tpu.memory_space<hbm>> -> memref<10000x128xf32, #tpu.memory_space<hbm>>
        %dma_start3A_165 = tpu.memref_slice %arg13[%rem3A_119] : memref<2x!tpu.dma_semaphore, #tpu.memory_space<semaphore_mem>> -> memref<1x!tpu.dma_semaphore, #tpu.memory_space<semaphore_mem>>
        %dma_start3A_166 = tpu.memref_squeeze %dma_start3A_165 : memref<1x!tpu.dma_semaphore, #tpu.memory_space<semaphore_mem>> -> memref<!tpu.dma_semaphore, #tpu.memory_space<semaphore_mem>>
        tpu.enqueue_indirect_dma source(%dma_start3A_164 : memref<10000x128xf32, #tpu.memory_space<hbm>>) target(%dma_start3A_158 : memref<128x128xf32, #tpu.memory_space<vmem>>) offsets(%dma_start3A_161 : memref<128xi32, #tpu.memory_space<vmem>>) semaphore(%dma_start3A_166 : memref<!tpu.dma_semaphore, #tpu.memory_space<semaphore_mem>>)
        %dma_wait3A_167 = arith.constant 0 : i32
        %dma_wait3A_168 = arith.constant 0 : i32
        %dma_wait3A_169 = tpu.memref_slice %arg6[%add3A_141, %dma_wait3A_167, %dma_wait3A_168] : memref<80x1x128xi32, #tpu.memory_space<vmem>> -> memref<1x1x128xi32, #tpu.memory_space<vmem>>
        %dma_wait3A_170 = tpu.memref_squeeze %dma_wait3A_169 : memref<1x1x128xi32, #tpu.memory_space<vmem>> -> memref<128xi32, #tpu.memory_space<vmem>>
        %dma_wait3A_171 = arith.constant 0 : i32
        %dma_wait3A_172 = tpu.memref_slice %arg12[%dma_wait3A_171] : memref<10240xf32, #tpu.memory_space<vmem_shared>> -> memref<10240xf32, #tpu.memory_space<vmem_shared>>
        tpu.wait_indirect_dma semaphore(%arg14 : memref<!tpu.dma_semaphore, #tpu.memory_space<semaphore_mem>>) src(%arg8 : memref<128xf32, #tpu.memory_space<vmem>>) dst(%dma_wait3A_172 : memref<10240xf32, #tpu.memory_space<vmem_shared>>)
      }
      %scan3A_82 = arith.constant 40 : i32
      %dma_wait3A = arith.constant 0 : i32
      %dma_wait3A_83 = arith.constant 0 : i32
      %dma_wait3A_84 = arith.constant 0 : i32
      %dma_wait3A_85 = arith.constant 0 : i32
      %dma_wait3A_86 = arith.constant 0 : i32
      %dma_wait3A_87 = arith.constant 0 : i32
      %dma_wait3A_88 = tpu.memref_slice %arg7[%dma_wait3A_84, %dma_wait3A_86, %dma_wait3A_87] : memref<2x128x128xf32, #tpu.memory_space<vmem>> -> memref<1x128x128xf32, #tpu.memory_space<vmem>>
      %dma_wait3A_89 = tpu.memref_squeeze %dma_wait3A_88 : memref<1x128x128xf32, #tpu.memory_space<vmem>> -> memref<128x128xf32, #tpu.memory_space<vmem>>
      %dma_wait3A_90 = arith.constant 0 : i32
      %dma_wait3A_91 = tpu.memref_slice %arg6[%dma_wait3A, %dma_wait3A_83, %dma_wait3A_90] : memref<80x1x128xi32, #tpu.memory_space<vmem>> -> memref<1x1x128xi32, #tpu.memory_space<vmem>>
      %dma_wait3A_92 = tpu.memref_squeeze %dma_wait3A_91 : memref<1x1x128xi32, #tpu.memory_space<vmem>> -> memref<128xi32, #tpu.memory_space<vmem>>
      %dma_wait3A_93 = arith.constant 0 : i32
      %dma_wait3A_94 = arith.constant 0 : i32
      %dma_wait3A_95 = tpu.memref_slice %arg2[%dma_wait3A_93, %dma_wait3A_94] : memref<10000x128xf32, #tpu.memory_space<hbm>> -> memref<10000x128xf32, #tpu.memory_space<hbm>>
      %dma_wait3A_96 = tpu.memref_slice %arg13[%dma_wait3A_85] : memref<2x!tpu.dma_semaphore, #tpu.memory_space<semaphore_mem>> -> memref<1x!tpu.dma_semaphore, #tpu.memory_space<semaphore_mem>>
      %dma_wait3A_97 = tpu.memref_squeeze %dma_wait3A_96 : memref<1x!tpu.dma_semaphore, #tpu.memory_space<semaphore_mem>> -> memref<!tpu.dma_semaphore, #tpu.memory_space<semaphore_mem>>
      tpu.wait_indirect_dma semaphore(%dma_wait3A_97 : memref<!tpu.dma_semaphore, #tpu.memory_space<semaphore_mem>>) src(%dma_wait3A_95 : memref<10000x128xf32, #tpu.memory_space<hbm>>) dst(%dma_wait3A_89 : memref<128x128xf32, #tpu.memory_space<vmem>>)
      %dma_wait3A_98 = arith.constant 0 : i32
      %dma_wait3A_99 = arith.constant 0 : i32
      %dma_wait3A_100 = arith.constant 1 : i32
      %dma_wait3A_101 = arith.constant 1 : i32
      %dma_wait3A_102 = arith.constant 0 : i32
      %dma_wait3A_103 = arith.constant 0 : i32
      %dma_wait3A_104 = tpu.memref_slice %arg7[%dma_wait3A_100, %dma_wait3A_102, %dma_wait3A_103] : memref<2x128x128xf32, #tpu.memory_space<vmem>> -> memref<1x128x128xf32, #tpu.memory_space<vmem>>
      %dma_wait3A_105 = tpu.memref_squeeze %dma_wait3A_104 : memref<1x128x128xf32, #tpu.memory_space<vmem>> -> memref<128x128xf32, #tpu.memory_space<vmem>>
      %dma_wait3A_106 = arith.constant 0 : i32
      %dma_wait3A_107 = tpu.memref_slice %arg6[%dma_wait3A_98, %dma_wait3A_99, %dma_wait3A_106] : memref<80x1x128xi32, #tpu.memory_space<vmem>> -> memref<1x1x128xi32, #tpu.memory_space<vmem>>
      %dma_wait3A_108 = tpu.memref_squeeze %dma_wait3A_107 : memref<1x1x128xi32, #tpu.memory_space<vmem>> -> memref<128xi32, #tpu.memory_space<vmem>>
      %dma_wait3A_109 = arith.constant 0 : i32
      %dma_wait3A_110 = arith.constant 0 : i32
      %dma_wait3A_111 = tpu.memref_slice %arg2[%dma_wait3A_109, %dma_wait3A_110] : memref<10000x128xf32, #tpu.memory_space<hbm>> -> memref<10000x128xf32, #tpu.memory_space<hbm>>
      %dma_wait3A_112 = tpu.memref_slice %arg13[%dma_wait3A_101] : memref<2x!tpu.dma_semaphore, #tpu.memory_space<semaphore_mem>> -> memref<1x!tpu.dma_semaphore, #tpu.memory_space<semaphore_mem>>
      %dma_wait3A_113 = tpu.memref_squeeze %dma_wait3A_112 : memref<1x!tpu.dma_semaphore, #tpu.memory_space<semaphore_mem>> -> memref<!tpu.dma_semaphore, #tpu.memory_space<semaphore_mem>>
      tpu.wait_indirect_dma semaphore(%dma_wait3A_113 : memref<!tpu.dma_semaphore, #tpu.memory_space<semaphore_mem>>) src(%dma_wait3A_111 : memref<10000x128xf32, #tpu.memory_space<hbm>>) dst(%dma_wait3A_105 : memref<128x128xf32, #tpu.memory_space<vmem>>)
    }
    %scan3A_61 = arith.constant 2 : i32
    %barrier3A_62 = arith.constant 0 : index
    tpu.barrier barrier_id(%barrier3A_62)
    %mul3A_63 = arith.constant 640 : i32
    %mul3A_64 = arith.muli %arg1, %mul3A_63 : i32
    %mul3A_65 = arith.constant 640 : i32
    %mul3A_66 = arith.muli %arg1, %mul3A_65 : i32
    "tpu.region"() ({
      %run_scoped3A = tpu.sem_alloc : memref<!tpu.dma_semaphore, #tpu.memory_space<semaphore_mem>>
      %dma_start3A_71 = arith.constant 0 : i32
      %dma_start3A_72 = tpu.memref_slice %arg4[%arg0, %mul3A_66, %dma_start3A_71] : memref<2x10240x128xf32, #tpu.memory_space<hbm>> -> memref<1x640x128xf32, #tpu.memory_space<hbm>>
      %dma_start3A_73 = tpu.memref_squeeze %dma_start3A_72 : memref<1x640x128xf32, #tpu.memory_space<hbm>> -> memref<640x128xf32, #tpu.memory_space<hbm>>
      %dma_start3A_74 = arith.constant 0 : i32
      %dma_start3A_75 = tpu.memref_slice %arg11[%mul3A_64, %dma_start3A_74] : memref<10240x128xf32, #tpu.memory_space<vmem_shared>> -> memref<640x128xf32, #tpu.memory_space<vmem_shared>>
      tpu.enqueue_dma source(%dma_start3A_75 : memref<640x128xf32, #tpu.memory_space<vmem_shared>>) target(%dma_start3A_73 : memref<640x128xf32, #tpu.memory_space<hbm>>) target_semaphore(%run_scoped3A : memref<!tpu.dma_semaphore, #tpu.memory_space<semaphore_mem>>)
      %dma_wait3A = arith.constant 0 : i32
      %dma_wait3A_76 = tpu.memref_slice %arg4[%arg0, %mul3A_66, %dma_wait3A] : memref<2x10240x128xf32, #tpu.memory_space<hbm>> -> memref<1x640x128xf32, #tpu.memory_space<hbm>>
      %dma_wait3A_77 = tpu.memref_squeeze %dma_wait3A_76 : memref<1x640x128xf32, #tpu.memory_space<hbm>> -> memref<640x128xf32, #tpu.memory_space<hbm>>
      %dma_wait3A_78 = arith.constant 0 : i32
      %dma_wait3A_79 = tpu.memref_slice %arg11[%mul3A_64, %dma_wait3A_78] : memref<10240x128xf32, #tpu.memory_space<vmem_shared>> -> memref<640x128xf32, #tpu.memory_space<vmem_shared>>
      tpu.wait_dma2 semaphore(%run_scoped3A : memref<!tpu.dma_semaphore, #tpu.memory_space<semaphore_mem>>) src(%dma_wait3A_79 : memref<640x128xf32, #tpu.memory_space<vmem_shared>>) dst(%dma_wait3A_77 : memref<640x128xf32, #tpu.memory_space<hbm>>)
      tpu.yield
    }) : () -> ()
    %mul3A_67 = arith.constant 640 : i32
    %mul3A_68 = arith.muli %arg1, %mul3A_67 : i32
    %mul3A_69 = arith.constant 640 : i32
    %mul3A_70 = arith.muli %arg1, %mul3A_69 : i32
    "tpu.region"() ({
      %run_scoped3A = tpu.sem_alloc : memref<!tpu.dma_semaphore, #tpu.memory_space<semaphore_mem>>
      %dma_start3A_71 = tpu.memref_slice %arg5[%arg0, %mul3A_70] : memref<2x10240xf32, #tpu.memory_space<hbm>> -> memref<1x640xf32, #tpu.memory_space<hbm>>
      %dma_start3A_72 = tpu.memref_squeeze %dma_start3A_71 : memref<1x640xf32, #tpu.memory_space<hbm>> -> memref<640xf32, #tpu.memory_space<hbm>>
      %dma_start3A_73 = tpu.memref_slice %arg12[%mul3A_68] : memref<10240xf32, #tpu.memory_space<vmem_shared>> -> memref<640xf32, #tpu.memory_space<vmem_shared>>
      tpu.enqueue_dma source(%dma_start3A_73 : memref<640xf32, #tpu.memory_space<vmem_shared>>) target(%dma_start3A_72 : memref<640xf32, #tpu.memory_space<hbm>>) target_semaphore(%run_scoped3A : memref<!tpu.dma_semaphore, #tpu.memory_space<semaphore_mem>>)
      %dma_wait3A = tpu.memref_slice %arg5[%arg0, %mul3A_70] : memref<2x10240xf32, #tpu.memory_space<hbm>> -> memref<1x640xf32, #tpu.memory_space<hbm>>
      %dma_wait3A_74 = tpu.memref_squeeze %dma_wait3A : memref<1x640xf32, #tpu.memory_space<hbm>> -> memref<640xf32, #tpu.memory_space<hbm>>
      %dma_wait3A_75 = tpu.memref_slice %arg12[%mul3A_68] : memref<10240xf32, #tpu.memory_space<vmem_shared>> -> memref<640xf32, #tpu.memory_space<vmem_shared>>
      tpu.wait_dma2 semaphore(%run_scoped3A : memref<!tpu.dma_semaphore, #tpu.memory_space<semaphore_mem>>) src(%dma_wait3A_75 : memref<640xf32, #tpu.memory_space<vmem_shared>>) dst(%dma_wait3A_74 : memref<640xf32, #tpu.memory_space<hbm>>)
      tpu.yield
    }) : () -> ()
    return
  }
}

#map = affine_map<(d0, d1) -> (0, 0)>
#map1 = affine_map<(d0, d1) -> (0, 0, 0)>
module attributes {stable_mosaic.version = 14 : i64} {
  func.func @seg_kernel(%arg0: i32, %arg1: i32, %arg2: memref<10000x128xf32, #tpu.memory_space<hbm>>, %arg3: memref<5120x1x128xi32, #tpu.memory_space<hbm>>, %arg4: memref<2x10240x128xf32, #tpu.memory_space<hbm>>, %arg5: memref<2x10240xf32, #tpu.memory_space<hbm>>, %arg6: memref<80x1x128xi32, #tpu.memory_space<vmem>>, %arg7: memref<2x128x128xf32, #tpu.memory_space<vmem>>, %arg8: memref<128xf32, #tpu.memory_space<vmem>>, %arg9: memref<32x128xf32, #tpu.memory_space<vmem>>, %arg10: memref<640xf32, #tpu.memory_space<vmem>>, %arg11: memref<10240x128xf32, #tpu.memory_space<vmem_shared>>, %arg12: memref<10240xf32, #tpu.memory_space<vmem_shared>>, %arg13: memref<2x!tpu.dma_semaphore, #tpu.memory_space<semaphore_mem>>, %arg14: memref<!tpu.dma_semaphore, #tpu.memory_space<semaphore_mem>>) attributes {dimension_semantics = [#tpu.dimension_semantics<core_parallel>, #tpu.dimension_semantics<subcore_parallel>], iteration_bounds = array<i64: 2, 16>, scalar_prefetch = 0 : i64, scratch_operands = 9 : i64, tpu.core_type = #tpu.core_type<sc_vector_subcore>, window_params = [{transform_indices = #map}, {transform_indices = #map1}, {transform_indices = #map1}, {transform_indices = #map}]} {
    %mul3A = arith.constant 16 : i32
    %mul3A_0 = arith.muli %arg0, %mul3A : i32
    %add3A = arith.addi %mul3A_0, %arg1 : i32
    %scan3A = arith.constant 0 : i32
    %scan3A_1 = arith.constant 32 : i32
    %scan3A_2 = arith.addi %scan3A, %scan3A_1 : i32
    %scan3A_3 = arith.constant 1 : i32
    scf.for %scan3A_71 = %scan3A to %scan3A_2 step %scan3A_3  : i32 {
      %mul3A_72 = arith.constant 1 : i32
      %mul3A_73 = arith.muli %scan3A_71, %mul3A_72 : i32
      %add3A_74 = arith.constant 0 : i32
      %add3A_75 = arith.addi %add3A_74, %mul3A_73 : i32
      %scan3A_76 = arith.constant 0 : i32
      %scan3A_77 = arith.constant 8 : i32
      %scan3A_78 = arith.addi %scan3A_76, %scan3A_77 : i32
      %scan3A_79 = arith.constant 1 : i32
      scf.for %scan3A_81 = %scan3A_76 to %scan3A_78 step %scan3A_79  : i32 {
        %mul3A_82 = arith.constant 16 : i32
        %mul3A_83 = arith.muli %scan3A_81, %mul3A_82 : i32
        %add3A_84 = arith.constant 0 : i32
        %add3A_85 = arith.addi %add3A_84, %mul3A_83 : i32
        %broadcast_in_dim3A = arith.constant 0.000000e+00 : f32
        %broadcast_in_dim3A_86 = vector.broadcast %broadcast_in_dim3A : f32 to vector<16xf32>
        %swap3A = arith.index_cast %add3A_75 : i32 to index
        %swap3A_87 = arith.index_cast %add3A_85 : i32 to index
        %swap3A_88 = tpu.vector_load %arg9[%swap3A, %swap3A_87] {strides = array<i32>} : memref<32x128xf32, #tpu.memory_space<vmem>>, vector<1x16xf32>,
        %swap3A_89 = vector.shape_cast %swap3A_88 : vector<1x16xf32> to vector<16xf32>
        %swap3A_90 = vector.shape_cast %broadcast_in_dim3A_86 : vector<16xf32> to vector<1x16xf32>
        tpu.vector_store %arg9[%swap3A, %swap3A_87], %swap3A_90 {strides = array<i32>} : memref<32x128xf32, #tpu.memory_space<vmem>>, vector<1x16xf32>,
      }
      %scan3A_80 = arith.constant 8 : i32
    }
    %scan3A_4 = arith.constant 32 : i32
    %scan3A_5 = arith.constant 0 : i32
    %scan3A_6 = arith.constant 40 : i32
    %scan3A_7 = arith.addi %scan3A_5, %scan3A_6 : i32
    %scan3A_8 = arith.constant 1 : i32
    scf.for %scan3A_71 = %scan3A_5 to %scan3A_7 step %scan3A_8  : i32 {
      %mul3A_72 = arith.constant 16 : i32
      %mul3A_73 = arith.muli %scan3A_71, %mul3A_72 : i32
      %add3A_74 = arith.constant 0 : i32
      %add3A_75 = arith.addi %add3A_74, %mul3A_73 : i32
      %broadcast_in_dim3A = arith.constant 0.000000e+00 : f32
      %broadcast_in_dim3A_76 = vector.broadcast %broadcast_in_dim3A : f32 to vector<16xf32>
      %swap3A = arith.index_cast %add3A_75 : i32 to index
      %swap3A_77 = tpu.vector_load %arg10[%swap3A] {strides = array<i32>} : memref<640xf32, #tpu.memory_space<vmem>>, vector<16xf32>,
      %swap3A_78 = vector.shape_cast %swap3A_77 : vector<16xf32> to vector<16xf32>
      %swap3A_79 = vector.shape_cast %broadcast_in_dim3A_76 : vector<16xf32> to vector<16xf32>
      tpu.vector_store %arg10[%swap3A], %swap3A_79 {strides = array<i32>} : memref<640xf32, #tpu.memory_space<vmem>>, vector<16xf32>,
    }
    %scan3A_9 = arith.constant 40 : i32
    %scan3A_10 = arith.constant 0 : i32
    %scan3A_11 = arith.constant 8 : i32
    %scan3A_12 = arith.addi %scan3A_10, %scan3A_11 : i32
    %scan3A_13 = arith.constant 1 : i32
    scf.for %scan3A_71 = %scan3A_10 to %scan3A_12 step %scan3A_13  : i32 {
      %mul3A_72 = arith.constant 16 : i32
      %mul3A_73 = arith.muli %scan3A_71, %mul3A_72 : i32
      %add3A_74 = arith.constant 0 : i32
      %add3A_75 = arith.addi %add3A_74, %mul3A_73 : i32
      %broadcast_in_dim3A = arith.constant 1.000000e+00 : f32
      %broadcast_in_dim3A_76 = vector.broadcast %broadcast_in_dim3A : f32 to vector<16xf32>
      %swap3A = arith.index_cast %add3A_75 : i32 to index
      %swap3A_77 = tpu.vector_load %arg8[%swap3A] {strides = array<i32>} : memref<128xf32, #tpu.memory_space<vmem>>, vector<16xf32>,
      %swap3A_78 = vector.shape_cast %swap3A_77 : vector<16xf32> to vector<16xf32>
      %swap3A_79 = vector.shape_cast %broadcast_in_dim3A_76 : vector<16xf32> to vector<16xf32>
      tpu.vector_store %arg8[%swap3A], %swap3A_79 {strides = array<i32>} : memref<128xf32, #tpu.memory_space<vmem>>, vector<16xf32>,
    }
    %scan3A_14 = arith.constant 8 : i32
    %mul3A_15 = arith.constant 4 : i32
    %mul3A_16 = arith.muli %add3A, %mul3A_15 : i32
    %mul3A_17 = arith.constant 40 : i32
    %mul3A_18 = arith.muli %mul3A_16, %mul3A_17 : i32
    "tpu.region"() ({
      %run_scoped3A = tpu.sem_alloc : memref<!tpu.dma_semaphore, #tpu.memory_space<semaphore_mem>>
      %dma_start3A_71 = arith.constant 0 : i32
      %dma_start3A_72 = arith.constant 0 : i32
      %dma_start3A_73 = tpu.memref_slice %arg3[%mul3A_18, %dma_start3A_71, %dma_start3A_72] : memref<5120x1x128xi32, #tpu.memory_space<hbm>> -> memref<80x1x128xi32, #tpu.memory_space<hbm>>
      %dma_start3A_74 = arith.constant 0 : i32
      %dma_start3A_75 = arith.constant 0 : i32
      %dma_start3A_76 = tpu.memref_slice %arg3[%mul3A_18, %dma_start3A_74, %dma_start3A_75] : memref<5120x1x128xi32, #tpu.memory_space<hbm>> -> memref<80x1x128xi32, #tpu.memory_space<hbm>>
      tpu.enqueue_dma source(%dma_start3A_76 : memref<80x1x128xi32, #tpu.memory_space<hbm>>) target(%arg6 : memref<80x1x128xi32, #tpu.memory_space<vmem>>) target_semaphore(%run_scoped3A : memref<!tpu.dma_semaphore, #tpu.memory_space<semaphore_mem>>)
      %dma_wait3A = arith.constant 0 : i32
      %dma_wait3A_77 = arith.constant 0 : i32
      %dma_wait3A_78 = tpu.memref_slice %arg3[%mul3A_18, %dma_wait3A, %dma_wait3A_77] : memref<5120x1x128xi32, #tpu.memory_space<hbm>> -> memref<80x1x128xi32, #tpu.memory_space<hbm>>
      %dma_wait3A_79 = arith.constant 0 : i32
      %dma_wait3A_80 = arith.constant 0 : i32
      %dma_wait3A_81 = tpu.memref_slice %arg3[%mul3A_18, %dma_wait3A_79, %dma_wait3A_80] : memref<5120x1x128xi32, #tpu.memory_space<hbm>> -> memref<80x1x128xi32, #tpu.memory_space<hbm>>
      tpu.wait_dma2 semaphore(%run_scoped3A : memref<!tpu.dma_semaphore, #tpu.memory_space<semaphore_mem>>) src(%dma_wait3A_81 : memref<80x1x128xi32, #tpu.memory_space<hbm>>) dst(%arg6 : memref<80x1x128xi32, #tpu.memory_space<vmem>>)
      tpu.yield
    }) : () -> ()
    %dma_start3A = arith.constant 0 : i32
    %dma_start3A_19 = arith.constant 0 : i32
    %dma_start3A_20 = arith.constant 0 : i32
    %dma_start3A_21 = arith.constant 0 : i32
    %dma_start3A_22 = arith.constant 0 : i32
    %dma_start3A_23 = arith.constant 0 : i32
    %dma_start3A_24 = tpu.memref_slice %arg7[%dma_start3A_20, %dma_start3A_22, %dma_start3A_23] : memref<2x128x128xf32, #tpu.memory_space<vmem>> -> memref<1x128x128xf32, #tpu.memory_space<vmem>>
    %dma_start3A_25 = tpu.memref_squeeze %dma_start3A_24 : memref<1x128x128xf32, #tpu.memory_space<vmem>> -> memref<128x128xf32, #tpu.memory_space<vmem>>
    %dma_start3A_26 = arith.constant 0 : i32
    %dma_start3A_27 = tpu.memref_slice %arg6[%dma_start3A, %dma_start3A_19, %dma_start3A_26] : memref<80x1x128xi32, #tpu.memory_space<vmem>> -> memref<1x1x128xi32, #tpu.memory_space<vmem>>
    %dma_start3A_28 = tpu.memref_squeeze %dma_start3A_27 : memref<1x1x128xi32, #tpu.memory_space<vmem>> -> memref<128xi32, #tpu.memory_space<vmem>>
    %dma_start3A_29 = arith.constant 0 : i32
    %dma_start3A_30 = arith.constant 0 : i32
    %dma_start3A_31 = tpu.memref_slice %arg2[%dma_start3A_29, %dma_start3A_30] : memref<10000x128xf32, #tpu.memory_space<hbm>> -> memref<10000x128xf32, #tpu.memory_space<hbm>>
    %dma_start3A_32 = tpu.memref_slice %arg13[%dma_start3A_21] : memref<2x!tpu.dma_semaphore, #tpu.memory_space<semaphore_mem>> -> memref<1x!tpu.dma_semaphore, #tpu.memory_space<semaphore_mem>>
    %dma_start3A_33 = tpu.memref_squeeze %dma_start3A_32 : memref<1x!tpu.dma_semaphore, #tpu.memory_space<semaphore_mem>> -> memref<!tpu.dma_semaphore, #tpu.memory_space<semaphore_mem>>
    tpu.enqueue_indirect_dma source(%dma_start3A_31 : memref<10000x128xf32, #tpu.memory_space<hbm>>) target(%dma_start3A_25 : memref<128x128xf32, #tpu.memory_space<vmem>>) offsets(%dma_start3A_28 : memref<128xi32, #tpu.memory_space<vmem>>) semaphore(%dma_start3A_33 : memref<!tpu.dma_semaphore, #tpu.memory_space<semaphore_mem>>)
    %dma_start3A_34 = arith.constant 2 : i32
    %dma_start3A_35 = arith.constant 0 : i32
    %dma_start3A_36 = arith.constant 1 : i32
    %dma_start3A_37 = arith.constant 1 : i32
    %dma_start3A_38 = arith.constant 0 : i32
    %dma_start3A_39 = arith.constant 0 : i32
    %dma_start3A_40 = tpu.memref_slice %arg7[%dma_start3A_36, %dma_start3A_38, %dma_start3A_39] : memref<2x128x128xf32, #tpu.memory_space<vmem>> -> memref<1x128x128xf32, #tpu.memory_space<vmem>>
    %dma_start3A_41 = tpu.memref_squeeze %dma_start3A_40 : memref<1x128x128xf32, #tpu.memory_space<vmem>> -> memref<128x128xf32, #tpu.memory_space<vmem>>
    %dma_start3A_42 = arith.constant 0 : i32
    %dma_start3A_43 = tpu.memref_slice %arg6[%dma_start3A_34, %dma_start3A_35, %dma_start3A_42] : memref<80x1x128xi32, #tpu.memory_space<vmem>> -> memref<1x1x128xi32, #tpu.memory_space<vmem>>
    %dma_start3A_44 = tpu.memref_squeeze %dma_start3A_43 : memref<1x1x128xi32, #tpu.memory_space<vmem>> -> memref<128xi32, #tpu.memory_space<vmem>>
    %dma_start3A_45 = arith.constant 0 : i32
    %dma_start3A_46 = arith.constant 0 : i32
    %dma_start3A_47 = tpu.memref_slice %arg2[%dma_start3A_45, %dma_start3A_46] : memref<10000x128xf32, #tpu.memory_space<hbm>> -> memref<10000x128xf32, #tpu.memory_space<hbm>>
    %dma_start3A_48 = tpu.memref_slice %arg13[%dma_start3A_37] : memref<2x!tpu.dma_semaphore, #tpu.memory_space<semaphore_mem>> -> memref<1x!tpu.dma_semaphore, #tpu.memory_space<semaphore_mem>>
    %dma_start3A_49 = tpu.memref_squeeze %dma_start3A_48 : memref<1x!tpu.dma_semaphore, #tpu.memory_space<semaphore_mem>> -> memref<!tpu.dma_semaphore, #tpu.memory_space<semaphore_mem>>
    tpu.enqueue_indirect_dma source(%dma_start3A_47 : memref<10000x128xf32, #tpu.memory_space<hbm>>) target(%dma_start3A_41 : memref<128x128xf32, #tpu.memory_space<vmem>>) offsets(%dma_start3A_44 : memref<128xi32, #tpu.memory_space<vmem>>) semaphore(%dma_start3A_49 : memref<!tpu.dma_semaphore, #tpu.memory_space<semaphore_mem>>)
    %scan3A_50 = arith.constant 0 : i32
    %scan3A_51 = arith.constant 20 : i32
    %scan3A_52 = arith.addi %scan3A_50, %scan3A_51 : i32
    %scan3A_53 = arith.constant 1 : i32
    scf.for %scan3A_71 = %scan3A_50 to %scan3A_52 step %scan3A_53  : i32 {
      %mul3A_72 = arith.constant 1 : i32
      %mul3A_73 = arith.muli %scan3A_71, %mul3A_72 : i32
      %add3A_74 = arith.constant 0 : i32
      %add3A_75 = arith.addi %add3A_74, %mul3A_73 : i32
      %mul3A_76 = arith.constant 640 : i32
      %mul3A_77 = arith.muli %arg1, %mul3A_76 : i32
      %mul3A_78 = arith.constant 32 : i32
      %mul3A_79 = arith.muli %add3A_75, %mul3A_78 : i32
      %add3A_80 = arith.addi %mul3A_77, %mul3A_79 : i32
      "tpu.region"() ({
        %run_scoped3A = tpu.sem_alloc : memref<!tpu.dma_semaphore, #tpu.memory_space<semaphore_mem>>
        %dma_start3A_81 = arith.constant 0 : i32
        %dma_start3A_82 = tpu.memref_slice %arg11[%add3A_80, %dma_start3A_81] : memref<10240x128xf32, #tpu.memory_space<vmem_shared>> -> memref<32x128xf32, #tpu.memory_space<vmem_shared>>
        %dma_start3A_83 = arith.constant 0 : i32
        %dma_start3A_84 = tpu.memref_slice %arg11[%add3A_80, %dma_start3A_83] : memref<10240x128xf32, #tpu.memory_space<vmem_shared>> -> memref<32x128xf32, #tpu.memory_space<vmem_shared>>
        tpu.enqueue_dma source(%arg9 : memref<32x128xf32, #tpu.memory_space<vmem>>) target(%dma_start3A_84 : memref<32x128xf32, #tpu.memory_space<vmem_shared>>) target_semaphore(%run_scoped3A : memref<!tpu.dma_semaphore, #tpu.memory_space<semaphore_mem>>)
        %dma_wait3A = arith.constant 0 : i32
        %dma_wait3A_85 = tpu.memref_slice %arg11[%add3A_80, %dma_wait3A] : memref<10240x128xf32, #tpu.memory_space<vmem_shared>> -> memref<32x128xf32, #tpu.memory_space<vmem_shared>>
        %dma_wait3A_86 = arith.constant 0 : i32
        %dma_wait3A_87 = tpu.memref_slice %arg11[%add3A_80, %dma_wait3A_86] : memref<10240x128xf32, #tpu.memory_space<vmem_shared>> -> memref<32x128xf32, #tpu.memory_space<vmem_shared>>
        tpu.wait_dma2 semaphore(%run_scoped3A : memref<!tpu.dma_semaphore, #tpu.memory_space<semaphore_mem>>) src(%arg9 : memref<32x128xf32, #tpu.memory_space<vmem>>) dst(%dma_wait3A_87 : memref<32x128xf32, #tpu.memory_space<vmem_shared>>)
        tpu.yield
      }) : () -> ()
    }
    %scan3A_54 = arith.constant 20 : i32
    %mul3A_55 = arith.constant 640 : i32
    %mul3A_56 = arith.muli %arg1, %mul3A_55 : i32
    "tpu.region"() ({
      %run_scoped3A = tpu.sem_alloc : memref<!tpu.dma_semaphore, #tpu.memory_space<semaphore_mem>>
      %dma_start3A_71 = tpu.memref_slice %arg12[%mul3A_56] : memref<10240xf32, #tpu.memory_space<vmem_shared>> -> memref<640xf32, #tpu.memory_space<vmem_shared>>
      %dma_start3A_72 = tpu.memref_slice %arg12[%mul3A_56] : memref<10240xf32, #tpu.memory_space<vmem_shared>> -> memref<640xf32, #tpu.memory_space<vmem_shared>>
      tpu.enqueue_dma source(%arg10 : memref<640xf32, #tpu.memory_space<vmem>>) target(%dma_start3A_72 : memref<640xf32, #tpu.memory_space<vmem_shared>>) target_semaphore(%run_scoped3A : memref<!tpu.dma_semaphore, #tpu.memory_space<semaphore_mem>>)
      %dma_wait3A = tpu.memref_slice %arg12[%mul3A_56] : memref<10240xf32, #tpu.memory_space<vmem_shared>> -> memref<640xf32, #tpu.memory_space<vmem_shared>>
      %dma_wait3A_73 = tpu.memref_slice %arg12[%mul3A_56] : memref<10240xf32, #tpu.memory_space<vmem_shared>> -> memref<640xf32, #tpu.memory_space<vmem_shared>>
      tpu.wait_dma2 semaphore(%run_scoped3A : memref<!tpu.dma_semaphore, #tpu.memory_space<semaphore_mem>>) src(%arg10 : memref<640xf32, #tpu.memory_space<vmem>>) dst(%dma_wait3A_73 : memref<640xf32, #tpu.memory_space<vmem_shared>>)
      tpu.yield
    }) : () -> ()
    %barrier3A = arith.constant 0 : index
    tpu.barrier barrier_id(%barrier3A)
    %scan3A_57 = arith.constant 0 : i32
    %scan3A_58 = arith.constant 2 : i32
    %scan3A_59 = arith.addi %scan3A_57, %scan3A_58 : i32
    %scan3A_60 = arith.constant 1 : i32
    scf.for %scan3A_71 = %scan3A_57 to %scan3A_59 step %scan3A_60  : i32 {
      %mul3A_72 = arith.constant 1 : i32
      %mul3A_73 = arith.muli %scan3A_71, %mul3A_72 : i32
      %add3A_74 = arith.constant 0 : i32
      %add3A_75 = arith.addi %add3A_74, %mul3A_73 : i32
      %gt3A = arith.constant 0 : i32
      %gt3A_76 = arith.cmpi sgt, %add3A_75, %gt3A : i32
      %convert_element_type3A = arith.extui %gt3A_76 : i1 to i32
      %cond3A = arith.constant 0 : i32
      %cond3A_77 = arith.cmpi ne, %convert_element_type3A, %cond3A : i32
      scf.if %cond3A_77 {
        %mul3A_114 = arith.constant 4 : i32
        %mul3A_115 = arith.muli %add3A, %mul3A_114 : i32
        %mul3A_116 = arith.constant 40 : i32
        %mul3A_117 = arith.muli %mul3A_115, %mul3A_116 : i32
        %mul3A_118 = arith.constant 2 : i32
        %mul3A_119 = arith.muli %add3A_75, %mul3A_118 : i32
        %mul3A_120 = arith.constant 40 : i32
        %mul3A_121 = arith.muli %mul3A_119, %mul3A_120 : i32
        %add3A_122 = arith.addi %mul3A_117, %mul3A_121 : i32
        "tpu.region"() ({
          %run_scoped3A = tpu.sem_alloc : memref<!tpu.dma_semaphore, #tpu.memory_space<semaphore_mem>>
          %dma_start3A_155 = arith.constant 0 : i32
          %dma_start3A_156 = arith.constant 0 : i32
          %dma_start3A_157 = tpu.memref_slice %arg3[%add3A_122, %dma_start3A_155, %dma_start3A_156] : memref<5120x1x128xi32, #tpu.memory_space<hbm>> -> memref<80x1x128xi32, #tpu.memory_space<hbm>>
          %dma_start3A_158 = arith.constant 0 : i32
          %dma_start3A_159 = arith.constant 0 : i32
          %dma_start3A_160 = tpu.memref_slice %arg3[%add3A_122, %dma_start3A_158, %dma_start3A_159] : memref<5120x1x128xi32, #tpu.memory_space<hbm>> -> memref<80x1x128xi32, #tpu.memory_space<hbm>>
          tpu.enqueue_dma source(%dma_start3A_160 : memref<80x1x128xi32, #tpu.memory_space<hbm>>) target(%arg6 : memref<80x1x128xi32, #tpu.memory_space<vmem>>) target_semaphore(%run_scoped3A : memref<!tpu.dma_semaphore, #tpu.memory_space<semaphore_mem>>)
          %dma_wait3A_161 = arith.constant 0 : i32
          %dma_wait3A_162 = arith.constant 0 : i32
          %dma_wait3A_163 = tpu.memref_slice %arg3[%add3A_122, %dma_wait3A_161, %dma_wait3A_162] : memref<5120x1x128xi32, #tpu.memory_space<hbm>> -> memref<80x1x128xi32, #tpu.memory_space<hbm>>
          %dma_wait3A_164 = arith.constant 0 : i32
          %dma_wait3A_165 = arith.constant 0 : i32
          %dma_wait3A_166 = tpu.memref_slice %arg3[%add3A_122, %dma_wait3A_164, %dma_wait3A_165] : memref<5120x1x128xi32, #tpu.memory_space<hbm>> -> memref<80x1x128xi32, #tpu.memory_space<hbm>>
          tpu.wait_dma2 semaphore(%run_scoped3A : memref<!tpu.dma_semaphore, #tpu.memory_space<semaphore_mem>>) src(%dma_wait3A_166 : memref<80x1x128xi32, #tpu.memory_space<hbm>>) dst(%arg6 : memref<80x1x128xi32, #tpu.memory_space<vmem>>)
          tpu.yield
        }) : () -> ()
        %dma_start3A_123 = arith.constant 0 : i32
        %dma_start3A_124 = arith.constant 0 : i32
        %dma_start3A_125 = arith.constant 0 : i32
        %dma_start3A_126 = arith.constant 0 : i32
        %dma_start3A_127 = arith.constant 0 : i32
        %dma_start3A_128 = arith.constant 0 : i32
        %dma_start3A_129 = tpu.memref_slice %arg7[%dma_start3A_125, %dma_start3A_127, %dma_start3A_128] : memref<2x128x128xf32, #tpu.memory_space<vmem>> -> memref<1x128x128xf32, #tpu.memory_space<vmem>>
        %dma_start3A_130 = tpu.memref_squeeze %dma_start3A_129 : memref<1x128x128xf32, #tpu.memory_space<vmem>> -> memref<128x128xf32, #tpu.memory_space<vmem>>
        %dma_start3A_131 = arith.constant 0 : i32
        %dma_start3A_132 = tpu.memref_slice %arg6[%dma_start3A_123, %dma_start3A_124, %dma_start3A_131] : memref<80x1x128xi32, #tpu.memory_space<vmem>> -> memref<1x1x128xi32, #tpu.memory_space<vmem>>
        %dma_start3A_133 = tpu.memref_squeeze %dma_start3A_132 : memref<1x1x128xi32, #tpu.memory_space<vmem>> -> memref<128xi32, #tpu.memory_space<vmem>>
        %dma_start3A_134 = arith.constant 0 : i32
        %dma_start3A_135 = arith.constant 0 : i32
        %dma_start3A_136 = tpu.memref_slice %arg2[%dma_start3A_134, %dma_start3A_135] : memref<10000x128xf32, #tpu.memory_space<hbm>> -> memref<10000x128xf32, #tpu.memory_space<hbm>>
        %dma_start3A_137 = tpu.memref_slice %arg13[%dma_start3A_126] : memref<2x!tpu.dma_semaphore, #tpu.memory_space<semaphore_mem>> -> memref<1x!tpu.dma_semaphore, #tpu.memory_space<semaphore_mem>>
        %dma_start3A_138 = tpu.memref_squeeze %dma_start3A_137 : memref<1x!tpu.dma_semaphore, #tpu.memory_space<semaphore_mem>> -> memref<!tpu.dma_semaphore, #tpu.memory_space<semaphore_mem>>
        tpu.enqueue_indirect_dma source(%dma_start3A_136 : memref<10000x128xf32, #tpu.memory_space<hbm>>) target(%dma_start3A_130 : memref<128x128xf32, #tpu.memory_space<vmem>>) offsets(%dma_start3A_133 : memref<128xi32, #tpu.memory_space<vmem>>) semaphore(%dma_start3A_138 : memref<!tpu.dma_semaphore, #tpu.memory_space<semaphore_mem>>)
        %dma_start3A_139 = arith.constant 2 : i32
        %dma_start3A_140 = arith.constant 0 : i32
        %dma_start3A_141 = arith.constant 1 : i32
        %dma_start3A_142 = arith.constant 1 : i32
        %dma_start3A_143 = arith.constant 0 : i32
        %dma_start3A_144 = arith.constant 0 : i32
        %dma_start3A_145 = tpu.memref_slice %arg7[%dma_start3A_141, %dma_start3A_143, %dma_start3A_144] : memref<2x128x128xf32, #tpu.memory_space<vmem>> -> memref<1x128x128xf32, #tpu.memory_space<vmem>>
        %dma_start3A_146 = tpu.memref_squeeze %dma_start3A_145 : memref<1x128x128xf32, #tpu.memory_space<vmem>> -> memref<128x128xf32, #tpu.memory_space<vmem>>
        %dma_start3A_147 = arith.constant 0 : i32
        %dma_start3A_148 = tpu.memref_slice %arg6[%dma_start3A_139, %dma_start3A_140, %dma_start3A_147] : memref<80x1x128xi32, #tpu.memory_space<vmem>> -> memref<1x1x128xi32, #tpu.memory_space<vmem>>
        %dma_start3A_149 = tpu.memref_squeeze %dma_start3A_148 : memref<1x1x128xi32, #tpu.memory_space<vmem>> -> memref<128xi32, #tpu.memory_space<vmem>>
        %dma_start3A_150 = arith.constant 0 : i32
        %dma_start3A_151 = arith.constant 0 : i32
        %dma_start3A_152 = tpu.memref_slice %arg2[%dma_start3A_150, %dma_start3A_151] : memref<10000x128xf32, #tpu.memory_space<hbm>> -> memref<10000x128xf32, #tpu.memory_space<hbm>>
        %dma_start3A_153 = tpu.memref_slice %arg13[%dma_start3A_142] : memref<2x!tpu.dma_semaphore, #tpu.memory_space<semaphore_mem>> -> memref<1x!tpu.dma_semaphore, #tpu.memory_space<semaphore_mem>>
        %dma_start3A_154 = tpu.memref_squeeze %dma_start3A_153 : memref<1x!tpu.dma_semaphore, #tpu.memory_space<semaphore_mem>> -> memref<!tpu.dma_semaphore, #tpu.memory_space<semaphore_mem>>
        tpu.enqueue_indirect_dma source(%dma_start3A_152 : memref<10000x128xf32, #tpu.memory_space<hbm>>) target(%dma_start3A_146 : memref<128x128xf32, #tpu.memory_space<vmem>>) offsets(%dma_start3A_149 : memref<128xi32, #tpu.memory_space<vmem>>) semaphore(%dma_start3A_154 : memref<!tpu.dma_semaphore, #tpu.memory_space<semaphore_mem>>)
      } else {
      }
      %scan3A_78 = arith.constant 0 : i32
      %scan3A_79 = arith.constant 40 : i32
      %scan3A_80 = arith.addi %scan3A_78, %scan3A_79 : i32
      %scan3A_81 = arith.constant 1 : i32
      scf.for %scan3A_114 = %scan3A_78 to %scan3A_80 step %scan3A_81  : i32 {
        %mul3A_115 = arith.constant 1 : i32
        %mul3A_116 = arith.muli %scan3A_114, %mul3A_115 : i32
        %add3A_117 = arith.constant 0 : i32
        %add3A_118 = arith.addi %add3A_117, %mul3A_116 : i32
        %rem3A = arith.constant 2 : i32
        %rem3A_119 = arith.remsi %add3A_118, %rem3A : i32
        %add3A_120 = arith.constant 2 : i32
        %add3A_121 = arith.addi %add3A_118, %add3A_120 : i32
        %min3A = arith.constant 39 : i32
        %min3A_122 = arith.minsi %add3A_121, %min3A : i32
        %mul3A_123 = arith.constant 2 : i32
        %mul3A_124 = arith.muli %mul3A_123, %add3A_118 : i32
        %dma_wait3A_125 = arith.constant 0 : i32
        %dma_wait3A_126 = arith.constant 0 : i32
        %dma_wait3A_127 = arith.constant 0 : i32
        %dma_wait3A_128 = tpu.memref_slice %arg7[%rem3A_119, %dma_wait3A_126, %dma_wait3A_127] : memref<2x128x128xf32, #tpu.memory_space<vmem>> -> memref<1x128x128xf32, #tpu.memory_space<vmem>>
        %dma_wait3A_129 = tpu.memref_squeeze %dma_wait3A_128 : memref<1x128x128xf32, #tpu.memory_space<vmem>> -> memref<128x128xf32, #tpu.memory_space<vmem>>
        %dma_wait3A_130 = arith.constant 0 : i32
        %dma_wait3A_131 = tpu.memref_slice %arg6[%mul3A_124, %dma_wait3A_125, %dma_wait3A_130] : memref<80x1x128xi32, #tpu.memory_space<vmem>> -> memref<1x1x128xi32, #tpu.memory_space<vmem>>
        %dma_wait3A_132 = tpu.memref_squeeze %dma_wait3A_131 : memref<1x1x128xi32, #tpu.memory_space<vmem>> -> memref<128xi32, #tpu.memory_space<vmem>>
        %dma_wait3A_133 = arith.constant 0 : i32
        %dma_wait3A_134 = arith.constant 0 : i32
        %dma_wait3A_135 = tpu.memref_slice %arg2[%dma_wait3A_133, %dma_wait3A_134] : memref<10000x128xf32, #tpu.memory_space<hbm>> -> memref<10000x128xf32, #tpu.memory_space<hbm>>
        %dma_wait3A_136 = tpu.memref_slice %arg13[%rem3A_119] : memref<2x!tpu.dma_semaphore, #tpu.memory_space<semaphore_mem>> -> memref<1x!tpu.dma_semaphore, #tpu.memory_space<semaphore_mem>>
        %dma_wait3A_137 = tpu.memref_squeeze %dma_wait3A_136 : memref<1x!tpu.dma_semaphore, #tpu.memory_space<semaphore_mem>> -> memref<!tpu.dma_semaphore, #tpu.memory_space<semaphore_mem>>
        tpu.wait_indirect_dma semaphore(%dma_wait3A_137 : memref<!tpu.dma_semaphore, #tpu.memory_space<semaphore_mem>>) src(%dma_wait3A_135 : memref<10000x128xf32, #tpu.memory_space<hbm>>) dst(%dma_wait3A_129 : memref<128x128xf32, #tpu.memory_space<vmem>>)
        %mul3A_138 = arith.constant 2 : i32
        %mul3A_139 = arith.muli %mul3A_138, %add3A_118 : i32
        %add3A_140 = arith.constant 1 : i32
        %add3A_141 = arith.addi %mul3A_139, %add3A_140 : i32
        %dma_start3A_142 = arith.constant 0 : i32
        %dma_start3A_143 = arith.constant 0 : i32
        %dma_start3A_144 = tpu.memref_slice %arg6[%add3A_141, %dma_start3A_142, %dma_start3A_143] : memref<80x1x128xi32, #tpu.memory_space<vmem>> -> memref<1x1x128xi32, #tpu.memory_space<vmem>>
        %dma_start3A_145 = tpu.memref_squeeze %dma_start3A_144 : memref<1x1x128xi32, #tpu.memory_space<vmem>> -> memref<128xi32, #tpu.memory_space<vmem>>
        %dma_start3A_146 = arith.constant 0 : i32
        %dma_start3A_147 = tpu.memref_slice %arg12[%dma_start3A_146] : memref<10240xf32, #tpu.memory_space<vmem_shared>> -> memref<10240xf32, #tpu.memory_space<vmem_shared>>
        tpu.enqueue_indirect_dma source(%arg8 : memref<128xf32, #tpu.memory_space<vmem>>) target(%dma_start3A_147 : memref<10240xf32, #tpu.memory_space<vmem_shared>>) offsets(%dma_start3A_145 : memref<128xi32, #tpu.memory_space<vmem>>) semaphore(%arg14 : memref<!tpu.dma_semaphore, #tpu.memory_space<semaphore_mem>>) {add = true}
        %mul3A_148 = arith.constant 2 : i32
        %mul3A_149 = arith.muli %mul3A_148, %add3A_118 : i32
        %add3A_150 = arith.constant 1 : i32
        %add3A_151 = arith.addi %mul3A_149, %add3A_150 : i32
        %run_scoped3A = arith.constant 0 : i32
        "tpu.region"() ({
          %run_scoped3A_173 = tpu.sem_alloc : memref<!tpu.dma_semaphore, #tpu.memory_space<semaphore_mem>>
          %dma_start3A_174 = arith.constant 0 : i32
          %dma_start3A_175 = arith.constant 0 : i32
          %dma_start3A_176 = tpu.memref_slice %arg7[%rem3A_119, %dma_start3A_174, %dma_start3A_175] : memref<2x128x128xf32, #tpu.memory_space<vmem>> -> memref<1x128x128xf32, #tpu.memory_space<vmem>>
          %dma_start3A_177 = tpu.memref_squeeze %dma_start3A_176 : memref<1x128x128xf32, #tpu.memory_space<vmem>> -> memref<128x128xf32, #tpu.memory_space<vmem>>
          %dma_start3A_178 = arith.constant 0 : i32
          %dma_start3A_179 = tpu.memref_slice %arg6[%add3A_151, %run_scoped3A, %dma_start3A_178] : memref<80x1x128xi32, #tpu.memory_space<vmem>> -> memref<1x1x128xi32, #tpu.memory_space<vmem>>
          %dma_start3A_180 = tpu.memref_squeeze %dma_start3A_179 : memref<1x1x128xi32, #tpu.memory_space<vmem>> -> memref<128xi32, #tpu.memory_space<vmem>>
          %dma_start3A_181 = arith.constant 0 : i32
          %dma_start3A_182 = arith.constant 0 : i32
          %dma_start3A_183 = tpu.memref_slice %arg11[%dma_start3A_181, %dma_start3A_182] : memref<10240x128xf32, #tpu.memory_space<vmem_shared>> -> memref<10240x128xf32, #tpu.memory_space<vmem_shared>>
          tpu.enqueue_indirect_dma source(%dma_start3A_177 : memref<128x128xf32, #tpu.memory_space<vmem>>) target(%dma_start3A_183 : memref<10240x128xf32, #tpu.memory_space<vmem_shared>>) offsets(%dma_start3A_180 : memref<128xi32, #tpu.memory_space<vmem>>) semaphore(%run_scoped3A_173 : memref<!tpu.dma_semaphore, #tpu.memory_space<semaphore_mem>>) {add = true}
          %dma_wait3A_184 = arith.constant 0 : i32
          %dma_wait3A_185 = arith.constant 0 : i32
          %dma_wait3A_186 = tpu.memref_slice %arg7[%rem3A_119, %dma_wait3A_184, %dma_wait3A_185] : memref<2x128x128xf32, #tpu.memory_space<vmem>> -> memref<1x128x128xf32, #tpu.memory_space<vmem>>
          %dma_wait3A_187 = tpu.memref_squeeze %dma_wait3A_186 : memref<1x128x128xf32, #tpu.memory_space<vmem>> -> memref<128x128xf32, #tpu.memory_space<vmem>>
          %dma_wait3A_188 = arith.constant 0 : i32
          %dma_wait3A_189 = tpu.memref_slice %arg6[%add3A_151, %run_scoped3A, %dma_wait3A_188] : memref<80x1x128xi32, #tpu.memory_space<vmem>> -> memref<1x1x128xi32, #tpu.memory_space<vmem>>
          %dma_wait3A_190 = tpu.memref_squeeze %dma_wait3A_189 : memref<1x1x128xi32, #tpu.memory_space<vmem>> -> memref<128xi32, #tpu.memory_space<vmem>>
          %dma_wait3A_191 = arith.constant 0 : i32
          %dma_wait3A_192 = arith.constant 0 : i32
          %dma_wait3A_193 = tpu.memref_slice %arg11[%dma_wait3A_191, %dma_wait3A_192] : memref<10240x128xf32, #tpu.memory_space<vmem_shared>> -> memref<10240x128xf32, #tpu.memory_space<vmem_shared>>
          tpu.wait_indirect_dma semaphore(%run_scoped3A_173 : memref<!tpu.dma_semaphore, #tpu.memory_space<semaphore_mem>>) src(%dma_wait3A_187 : memref<128x128xf32, #tpu.memory_space<vmem>>) dst(%dma_wait3A_193 : memref<10240x128xf32, #tpu.memory_space<vmem_shared>>)
          tpu.yield
        }) : () -> ()
        %mul3A_152 = arith.constant 2 : i32
        %mul3A_153 = arith.muli %mul3A_152, %min3A_122 : i32
        %dma_start3A_154 = arith.constant 0 : i32
        %dma_start3A_155 = arith.constant 0 : i32
        %dma_start3A_156 = arith.constant 0 : i32
        %dma_start3A_157 = tpu.memref_slice %arg7[%rem3A_119, %dma_start3A_155, %dma_start3A_156] : memref<2x128x128xf32, #tpu.memory_space<vmem>> -> memref<1x128x128xf32, #tpu.memory_space<vmem>>
        %dma_start3A_158 = tpu.memref_squeeze %dma_start3A_157 : memref<1x128x128xf32, #tpu.memory_space<vmem>> -> memref<128x128xf32, #tpu.memory_space<vmem>>
        %dma_start3A_159 = arith.constant 0 : i32
        %dma_start3A_160 = tpu.memref_slice %arg6[%mul3A_153, %dma_start3A_154, %dma_start3A_159] : memref<80x1x128xi32, #tpu.memory_space<vmem>> -> memref<1x1x128xi32, #tpu.memory_space<vmem>>
        %dma_start3A_161 = tpu.memref_squeeze %dma_start3A_160 : memref<1x1x128xi32, #tpu.memory_space<vmem>> -> memref<128xi32, #tpu.memory_space<vmem>>
        %dma_start3A_162 = arith.constant 0 : i32
        %dma_start3A_163 = arith.constant 0 : i32
        %dma_start3A_164 = tpu.memref_slice %arg2[%dma_start3A_162, %dma_start3A_163] : memref<10000x128xf32, #tpu.memory_space<hbm>> -> memref<10000x128xf32, #tpu.memory_space<hbm>>
        %dma_start3A_165 = tpu.memref_slice %arg13[%rem3A_119] : memref<2x!tpu.dma_semaphore, #tpu.memory_space<semaphore_mem>> -> memref<1x!tpu.dma_semaphore, #tpu.memory_space<semaphore_mem>>
        %dma_start3A_166 = tpu.memref_squeeze %dma_start3A_165 : memref<1x!tpu.dma_semaphore, #tpu.memory_space<semaphore_mem>> -> memref<!tpu.dma_semaphore, #tpu.memory_space<semaphore_mem>>
        tpu.enqueue_indirect_dma source(%dma_start3A_164 : memref<10000x128xf32, #tpu.memory_space<hbm>>) target(%dma_start3A_158 : memref<128x128xf32, #tpu.memory_space<vmem>>) offsets(%dma_start3A_161 : memref<128xi32, #tpu.memory_space<vmem>>) semaphore(%dma_start3A_166 : memref<!tpu.dma_semaphore, #tpu.memory_space<semaphore_mem>>)
        %dma_wait3A_167 = arith.constant 0 : i32
        %dma_wait3A_168 = arith.constant 0 : i32
        %dma_wait3A_169 = tpu.memref_slice %arg6[%add3A_141, %dma_wait3A_167, %dma_wait3A_168] : memref<80x1x128xi32, #tpu.memory_space<vmem>> -> memref<1x1x128xi32, #tpu.memory_space<vmem>>
        %dma_wait3A_170 = tpu.memref_squeeze %dma_wait3A_169 : memref<1x1x128xi32, #tpu.memory_space<vmem>> -> memref<128xi32, #tpu.memory_space<vmem>>
        %dma_wait3A_171 = arith.constant 0 : i32
        %dma_wait3A_172 = tpu.memref_slice %arg12[%dma_wait3A_171] : memref<10240xf32, #tpu.memory_space<vmem_shared>> -> memref<10240xf32, #tpu.memory_space<vmem_shared>>
        tpu.wait_indirect_dma semaphore(%arg14 : memref<!tpu.dma_semaphore, #tpu.memory_space<semaphore_mem>>) src(%arg8 : memref<128xf32, #tpu.memory_space<vmem>>) dst(%dma_wait3A_172 : memref<10240xf32, #tpu.memory_space<vmem_shared>>)
      }
      %scan3A_82 = arith.constant 40 : i32
      %dma_wait3A = arith.constant 0 : i32
      %dma_wait3A_83 = arith.constant 0 : i32
      %dma_wait3A_84 = arith.constant 0 : i32
      %dma_wait3A_85 = arith.constant 0 : i32
      %dma_wait3A_86 = arith.constant 0 : i32
      %dma_wait3A_87 = arith.constant 0 : i32
      %dma_wait3A_88 = tpu.memref_slice %arg7[%dma_wait3A_84, %dma_wait3A_86, %dma_wait3A_87] : memref<2x128x128xf32, #tpu.memory_space<vmem>> -> memref<1x128x128xf32, #tpu.memory_space<vmem>>
      %dma_wait3A_89 = tpu.memref_squeeze %dma_wait3A_88 : memref<1x128x128xf32, #tpu.memory_space<vmem>> -> memref<128x128xf32, #tpu.memory_space<vmem>>
      %dma_wait3A_90 = arith.constant 0 : i32
      %dma_wait3A_91 = tpu.memref_slice %arg6[%dma_wait3A, %dma_wait3A_83, %dma_wait3A_90] : memref<80x1x128xi32, #tpu.memory_space<vmem>> -> memref<1x1x128xi32, #tpu.memory_space<vmem>>
      %dma_wait3A_92 = tpu.memref_squeeze %dma_wait3A_91 : memref<1x1x128xi32, #tpu.memory_space<vmem>> -> memref<128xi32, #tpu.memory_space<vmem>>
      %dma_wait3A_93 = arith.constant 0 : i32
      %dma_wait3A_94 = arith.constant 0 : i32
      %dma_wait3A_95 = tpu.memref_slice %arg2[%dma_wait3A_93, %dma_wait3A_94] : memref<10000x128xf32, #tpu.memory_space<hbm>> -> memref<10000x128xf32, #tpu.memory_space<hbm>>
      %dma_wait3A_96 = tpu.memref_slice %arg13[%dma_wait3A_85] : memref<2x!tpu.dma_semaphore, #tpu.memory_space<semaphore_mem>> -> memref<1x!tpu.dma_semaphore, #tpu.memory_space<semaphore_mem>>
      %dma_wait3A_97 = tpu.memref_squeeze %dma_wait3A_96 : memref<1x!tpu.dma_semaphore, #tpu.memory_space<semaphore_mem>> -> memref<!tpu.dma_semaphore, #tpu.memory_space<semaphore_mem>>
      tpu.wait_indirect_dma semaphore(%dma_wait3A_97 : memref<!tpu.dma_semaphore, #tpu.memory_space<semaphore_mem>>) src(%dma_wait3A_95 : memref<10000x128xf32, #tpu.memory_space<hbm>>) dst(%dma_wait3A_89 : memref<128x128xf32, #tpu.memory_space<vmem>>)
      %dma_wait3A_98 = arith.constant 0 : i32
      %dma_wait3A_99 = arith.constant 0 : i32
      %dma_wait3A_100 = arith.constant 1 : i32
      %dma_wait3A_101 = arith.constant 1 : i32
      %dma_wait3A_102 = arith.constant 0 : i32
      %dma_wait3A_103 = arith.constant 0 : i32
      %dma_wait3A_104 = tpu.memref_slice %arg7[%dma_wait3A_100, %dma_wait3A_102, %dma_wait3A_103] : memref<2x128x128xf32, #tpu.memory_space<vmem>> -> memref<1x128x128xf32, #tpu.memory_space<vmem>>
      %dma_wait3A_105 = tpu.memref_squeeze %dma_wait3A_104 : memref<1x128x128xf32, #tpu.memory_space<vmem>> -> memref<128x128xf32, #tpu.memory_space<vmem>>
      %dma_wait3A_106 = arith.constant 0 : i32
      %dma_wait3A_107 = tpu.memref_slice %arg6[%dma_wait3A_98, %dma_wait3A_99, %dma_wait3A_106] : memref<80x1x128xi32, #tpu.memory_space<vmem>> -> memref<1x1x128xi32, #tpu.memory_space<vmem>>
      %dma_wait3A_108 = tpu.memref_squeeze %dma_wait3A_107 : memref<1x1x128xi32, #tpu.memory_space<vmem>> -> memref<128xi32, #tpu.memory_space<vmem>>
      %dma_wait3A_109 = arith.constant 0 : i32
      %dma_wait3A_110 = arith.constant 0 : i32
      %dma_wait3A_111 = tpu.memref_slice %arg2[%dma_wait3A_109, %dma_wait3A_110] : memref<10000x128xf32, #tpu.memory_space<hbm>> -> memref<10000x128xf32, #tpu.memory_space<hbm>>
      %dma_wait3A_112 = tpu.memref_slice %arg13[%dma_wait3A_101] : memref<2x!tpu.dma_semaphore, #tpu.memory_space<semaphore_mem>> -> memref<1x!tpu.dma_semaphore, #tpu.memory_space<semaphore_mem>>
      %dma_wait3A_113 = tpu.memref_squeeze %dma_wait3A_112 : memref<1x!tpu.dma_semaphore, #tpu.memory_space<semaphore_mem>> -> memref<!tpu.dma_semaphore, #tpu.memory_space<semaphore_mem>>
      tpu.wait_indirect_dma semaphore(%dma_wait3A_113 : memref<!tpu.dma_semaphore, #tpu.memory_space<semaphore_mem>>) src(%dma_wait3A_111 : memref<10000x128xf32, #tpu.memory_space<hbm>>) dst(%dma_wait3A_105 : memref<128x128xf32, #tpu.memory_space<vmem>>)
    }
    %scan3A_61 = arith.constant 2 : i32
    %barrier3A_62 = arith.constant 0 : index
    tpu.barrier barrier_id(%barrier3A_62)
    %mul3A_63 = arith.constant 640 : i32
    %mul3A_64 = arith.muli %arg1, %mul3A_63 : i32
    %mul3A_65 = arith.constant 640 : i32
    %mul3A_66 = arith.muli %arg1, %mul3A_65 : i32
    "tpu.region"() ({
      %run_scoped3A = tpu.sem_alloc : memref<!tpu.dma_semaphore, #tpu.memory_space<semaphore_mem>>
      %dma_start3A_71 = arith.constant 0 : i32
      %dma_start3A_72 = tpu.memref_slice %arg4[%arg0, %mul3A_66, %dma_start3A_71] : memref<2x10240x128xf32, #tpu.memory_space<hbm>> -> memref<1x640x128xf32, #tpu.memory_space<hbm>>
      %dma_start3A_73 = tpu.memref_squeeze %dma_start3A_72 : memref<1x640x128xf32, #tpu.memory_space<hbm>> -> memref<640x128xf32, #tpu.memory_space<hbm>>
      %dma_start3A_74 = arith.constant 0 : i32
      %dma_start3A_75 = tpu.memref_slice %arg11[%mul3A_64, %dma_start3A_74] : memref<10240x128xf32, #tpu.memory_space<vmem_shared>> -> memref<640x128xf32, #tpu.memory_space<vmem_shared>>
      tpu.enqueue_dma source(%dma_start3A_75 : memref<640x128xf32, #tpu.memory_space<vmem_shared>>) target(%dma_start3A_73 : memref<640x128xf32, #tpu.memory_space<hbm>>) target_semaphore(%run_scoped3A : memref<!tpu.dma_semaphore, #tpu.memory_space<semaphore_mem>>)
      %dma_wait3A = arith.constant 0 : i32
      %dma_wait3A_76 = tpu.memref_slice %arg4[%arg0, %mul3A_66, %dma_wait3A] : memref<2x10240x128xf32, #tpu.memory_space<hbm>> -> memref<1x640x128xf32, #tpu.memory_space<hbm>>
      %dma_wait3A_77 = tpu.memref_squeeze %dma_wait3A_76 : memref<1x640x128xf32, #tpu.memory_space<hbm>> -> memref<640x128xf32, #tpu.memory_space<hbm>>
      %dma_wait3A_78 = arith.constant 0 : i32
      %dma_wait3A_79 = tpu.memref_slice %arg11[%mul3A_64, %dma_wait3A_78] : memref<10240x128xf32, #tpu.memory_space<vmem_shared>> -> memref<640x128xf32, #tpu.memory_space<vmem_shared>>
      tpu.wait_dma2 semaphore(%run_scoped3A : memref<!tpu.dma_semaphore, #tpu.memory_space<semaphore_mem>>) src(%dma_wait3A_79 : memref<640x128xf32, #tpu.memory_space<vmem_shared>>) dst(%dma_wait3A_77 : memref<640x128xf32, #tpu.memory_space<hbm>>)
      tpu.yield
    }) : () -> ()
    %mul3A_67 = arith.constant 640 : i32
    %mul3A_68 = arith.muli %arg1, %mul3A_67 : i32
    %mul3A_69 = arith.constant 640 : i32
    %mul3A_70 = arith.muli %arg1, %mul3A_69 : i32
    "tpu.region"() ({
      %run_scoped3A = tpu.sem_alloc : memref<!tpu.dma_semaphore, #tpu.memory_space<semaphore_mem>>
      %dma_start3A_71 = tpu.memref_slice %arg5[%arg0, %mul3A_70] : memref<2x10240xf32, #tpu.memory_space<hbm>> -> memref<1x640xf32, #tpu.memory_space<hbm>>
      %dma_start3A_72 = tpu.memref_squeeze %dma_start3A_71 : memref<1x640xf32, #tpu.memory_space<hbm>> -> memref<640xf32, #tpu.memory_space<hbm>>
      %dma_start3A_73 = tpu.memref_slice %arg12[%mul3A_68] : memref<10240xf32, #tpu.memory_space<vmem_shared>> -> memref<640xf32, #tpu.memory_space<vmem_shared>>
      tpu.enqueue_dma source(%dma_start3A_73 : memref<640xf32, #tpu.memory_space<vmem_shared>>) target(%dma_start3A_72 : memref<640xf32, #tpu.memory_space<hbm>>) target_semaphore(%run_scoped3A : memref<!tpu.dma_semaphore, #tpu.memory_space<semaphore_mem>>)
      %dma_wait3A = tpu.memref_slice %arg5[%arg0, %mul3A_70] : memref<2x10240xf32, #tpu.memory_space<hbm>> -> memref<1x640xf32, #tpu.memory_space<hbm>>
      %dma_wait3A_74 = tpu.memref_squeeze %dma_wait3A : memref<1x640xf32, #tpu.memory_space<hbm>> -> memref<640xf32, #tpu.memory_space<hbm>>
      %dma_wait3A_75 = tpu.memref_slice %arg12[%mul3A_68] : memref<10240xf32, #tpu.memory_space<vmem_shared>> -> memref<640xf32, #tpu.memory_space<vmem_shared>>
      tpu.wait_dma2 semaphore(%run_scoped3A : memref<!tpu.dma_semaphore, #tpu.memory_space<semaphore_mem>>) src(%dma_wait3A_75 : memref<640xf32, #tpu.memory_space<vmem_shared>>) dst(%dma_wait3A_74 : memref<640xf32, #tpu.memory_space<hbm>>)
      tpu.yield
    }) : () -> ()
    return
  }
}

module attributes {stable_mosaic.version = 14 : i64} {
  func.func @body(%arg0: i32, %arg1: memref<1000x128xf32, #tpu.memory_space<vmem>>, %arg2: memref<128x128xf32, #tpu.memory_space<vmem>>, %arg3: memref<1000x128xf32, #tpu.memory_space<vmem>>) attributes {dimension_semantics = [#tpu.dimension_semantics<arbitrary>], iteration_bounds = array<i64: 10>, scalar_prefetch = 0 : i64, scratch_operands = 0 : i64, tpu.core_type = #tpu.core_type<tc>, window_params = [{transform_indices = @transform_0, window_bounds = array<i64: 1000, 128>}, {pipeline_mode = #tpu.pipeline_mode<synchronous>, transform_indices = @transform_1, window_bounds = array<i64: 128, 128>}, {transform_indices = @transform_2, window_bounds = array<i64: 1000, 128>}]} {
    %get3A = arith.constant 0 : index
    %get3A_0 = arith.constant 0 : index
    %get3A_1 = vector.load %arg1[%get3A, %get3A_0] : memref<1000x128xf32, #tpu.memory_space<vmem>>, vector<1000x128xf32>
    %get3A_2 = arith.constant 0 : index
    %get3A_3 = arith.constant 0 : index
    %get3A_4 = vector.load %arg2[%get3A_2, %get3A_3] : memref<128x128xf32, #tpu.memory_space<vmem>>, vector<128x128xf32>
    %dot_general3A = arith.constant dense<0.000000e+00> : vector<1000x128xf32>
    %dot_general3A_5 = tpu.matmul %get3A_1, %get3A_4, %dot_general3A {dimension_numbers = #tpu.dot_dimension_numbers<[1], [1], [0], [0], [0, 0, 1, 0], [], []>, transpose_lhs_hint = false} : vector<1000x128xf32>, vector<128x128xf32>, vector<1000x128xf32> -> vector<1000x128xf32>
    %swap3A = arith.constant 0 : index
    %swap3A_6 = arith.constant 0 : index
    %swap3A_7 = vector.load %arg3[%swap3A, %swap3A_6] : memref<1000x128xf32, #tpu.memory_space<vmem>>, vector<1000x128xf32>
    tpu.vector_store %arg3[%swap3A, %swap3A_6], %dot_general3A_5 {strides = array<i32>} : memref<1000x128xf32, #tpu.memory_space<vmem>>, vector<1000x128xf32>,
    return
  }
  func.func @transform_0(%arg0: i32) -> (i32, i32) {
    %c0_i32 = arith.constant 0 : i32
    %c0_i32_0 = arith.constant 0 : i32
    return %arg0, %c0_i32 : i32, i32
  }
  func.func @transform_1(%arg0: i32) -> (i32, i32) {
    %c0_i32 = arith.constant 0 : i32
    %c0_i32_0 = arith.constant 0 : i32
    %c0_i32_1 = arith.constant 0 : i32
    return %c0_i32, %c0_i32_0 : i32, i32
  }
  func.func @transform_2(%arg0: i32) -> (i32, i32) {
    %c0_i32 = arith.constant 0 : i32
    %c0_i32_0 = arith.constant 0 : i32
    return %arg0, %c0_i32 : i32, i32
  }
}

module attributes {stable_mosaic.version = 14 : i64} {
  func.func @body(%arg0: i32, %arg1: memref<2x1000x128xf32, #tpu.memory_space<vmem>>, %arg2: memref<2x1000x1xf32, #tpu.memory_space<vmem>>, %arg3: memref<1000x128xf32, #tpu.memory_space<vmem>>, %arg4: memref<128x128xf32, #tpu.memory_space<vmem>>, %arg5: memref<1x128xf32, #tpu.memory_space<vmem>>, %arg6: memref<128x128xf32, #tpu.memory_space<vmem>>, %arg7: memref<1000x128xf32, #tpu.memory_space<vmem>>, %arg8: memref<1000x128xf32, #tpu.memory_space<vmem>>) attributes {dimension_semantics = [#tpu.dimension_semantics<arbitrary>], iteration_bounds = array<i64: 10>, scalar_prefetch = 0 : i64, scratch_operands = 0 : i64, tpu.core_type = #tpu.core_type<tc>, window_params = [{transform_indices = @transform_0, window_bounds = array<i64: 2, 1000, 128>}, {transform_indices = @transform_1, window_bounds = array<i64: 2, 1000, 1>}, {transform_indices = @transform_2, window_bounds = array<i64: 1000, 128>}, {pipeline_mode = #tpu.pipeline_mode<synchronous>, transform_indices = @transform_3, window_bounds = array<i64: 128, 128>}, {pipeline_mode = #tpu.pipeline_mode<synchronous>, transform_indices = @transform_4, window_bounds = array<i64: 1, 128>}, {pipeline_mode = #tpu.pipeline_mode<synchronous>, transform_indices = @transform_5, window_bounds = array<i64: 128, 128>}, {transform_indices = @transform_6, window_bounds = array<i64: 1000, 128>}, {transform_indices = @transform_7, window_bounds = array<i64: 1000, 128>}]} {
    %get3A = arith.constant 0 : index
    %get3A_0 = arith.constant 0 : index
    %get3A_1 = arith.constant 0 : index
    %get3A_2 = vector.load %arg1[%get3A, %get3A_0, %get3A_1] : memref<2x1000x128xf32, #tpu.memory_space<vmem>>, vector<1x1000x128xf32>
    %get3A_3 = vector.shape_cast %get3A_2 : vector<1x1000x128xf32> to vector<1000x128xf32>
    %get3A_4 = arith.constant 1 : index
    %get3A_5 = arith.constant 0 : index
    %get3A_6 = arith.constant 0 : index
    %get3A_7 = vector.load %arg1[%get3A_4, %get3A_5, %get3A_6] : memref<2x1000x128xf32, #tpu.memory_space<vmem>>, vector<1x1000x128xf32>
    %get3A_8 = vector.shape_cast %get3A_7 : vector<1x1000x128xf32> to vector<1000x128xf32>
    %add3A = arith.addf %get3A_3, %get3A_8 : vector<1000x128xf32>
    %get3A_9 = arith.constant 0 : index
    %get3A_10 = arith.constant 0 : index
    %get3A_11 = arith.constant 0 : index
    %get3A_12 = vector.load %arg2[%get3A_9, %get3A_10, %get3A_11] : memref<2x1000x1xf32, #tpu.memory_space<vmem>>, vector<1x1000x1xf32>
    %get3A_13 = vector.shape_cast %get3A_12 : vector<1x1000x1xf32> to vector<1000x1xf32>
    %get3A_14 = arith.constant 1 : index
    %get3A_15 = arith.constant 0 : index
    %get3A_16 = arith.constant 0 : index
    %get3A_17 = vector.load %arg2[%get3A_14, %get3A_15, %get3A_16] : memref<2x1000x1xf32, #tpu.memory_space<vmem>>, vector<1x1000x1xf32>
    %get3A_18 = vector.shape_cast %get3A_17 : vector<1x1000x1xf32> to vector<1000x1xf32>
    %add3A_19 = arith.addf %get3A_13, %get3A_18 : vector<1000x1xf32>
    %max3A = arith.constant 1.000000e+00 : f32
    %max3A_20 = vector.broadcast %max3A : f32 to vector<1000x1xf32>
    %max3A_21 = arith.maximumf %add3A_19, %max3A_20 : vector<1000x1xf32>
    %div3A = vector.broadcast %max3A_21 : vector<1000x1xf32> to vector<1000x128xf32>
    %div3A_22 = arith.divf %add3A, %div3A : vector<1000x128xf32>
    %get3A_23 = arith.constant 0 : index
    %get3A_24 = arith.constant 0 : index
    %get3A_25 = vector.load %arg5[%get3A_23, %get3A_24] : memref<1x128xf32, #tpu.memory_space<vmem>>, vector<1x128xf32>
    %add3A_26 = vector.broadcast %get3A_25 : vector<1x128xf32> to vector<1000x128xf32>
    %add3A_27 = arith.addf %div3A_22, %add3A_26 : vector<1000x128xf32>
    %get3A_28 = arith.constant 0 : index
    %get3A_29 = arith.constant 0 : index
    %get3A_30 = vector.load %arg3[%get3A_28, %get3A_29] : memref<1000x128xf32, #tpu.memory_space<vmem>>, vector<1000x128xf32>
    %get3A_31 = arith.constant 0 : index
    %get3A_32 = arith.constant 0 : index
    %get3A_33 = vector.load %arg4[%get3A_31, %get3A_32] : memref<128x128xf32, #tpu.memory_space<vmem>>, vector<128x128xf32>
    %dot_general3A = arith.constant dense<0.000000e+00> : vector<1000x128xf32>
    %dot_general3A_34 = tpu.matmul %get3A_30, %get3A_33, %dot_general3A {dimension_numbers = #tpu.dot_dimension_numbers<[1], [1], [0], [0], [0, 0, 1, 0], [], []>, transpose_lhs_hint = false} : vector<1000x128xf32>, vector<128x128xf32>, vector<1000x128xf32> -> vector<1000x128xf32>
    %add3A_35 = arith.addf %add3A_27, %dot_general3A_34 : vector<1000x128xf32>
    %max3A_36 = arith.constant 0.000000e+00 : f32
    %max3A_37 = vector.broadcast %max3A_36 : f32 to vector<1000x128xf32>
    %max3A_38 = arith.maximumf %add3A_35, %max3A_37 : vector<1000x128xf32>
    %swap3A = arith.constant 0 : index
    %swap3A_39 = arith.constant 0 : index
    %swap3A_40 = vector.load %arg7[%swap3A, %swap3A_39] : memref<1000x128xf32, #tpu.memory_space<vmem>>, vector<1000x128xf32>
    tpu.vector_store %arg7[%swap3A, %swap3A_39], %max3A_38 {strides = array<i32>} : memref<1000x128xf32, #tpu.memory_space<vmem>>, vector<1000x128xf32>,
    %get3A_41 = arith.constant 0 : index
    %get3A_42 = arith.constant 0 : index
    %get3A_43 = vector.load %arg6[%get3A_41, %get3A_42] : memref<128x128xf32, #tpu.memory_space<vmem>>, vector<128x128xf32>
    %dot_general3A_44 = arith.constant dense<0.000000e+00> : vector<1000x128xf32>
    %dot_general3A_45 = tpu.matmul %max3A_38, %get3A_43, %dot_general3A_44 {dimension_numbers = #tpu.dot_dimension_numbers<[1], [1], [0], [0], [0, 0, 1, 0], [], []>, transpose_lhs_hint = false} : vector<1000x128xf32>, vector<128x128xf32>, vector<1000x128xf32> -> vector<1000x128xf32>
    %swap3A_46 = arith.constant 0 : index
    %swap3A_47 = arith.constant 0 : index
    %swap3A_48 = vector.load %arg8[%swap3A_46, %swap3A_47] : memref<1000x128xf32, #tpu.memory_space<vmem>>, vector<1000x128xf32>
    tpu.vector_store %arg8[%swap3A_46, %swap3A_47], %dot_general3A_45 {strides = array<i32>} : memref<1000x128xf32, #tpu.memory_space<vmem>>, vector<1000x128xf32>,
    return
  }
  func.func @transform_0(%arg0: i32) -> (i32, i32, i32) {
    %c0_i32 = arith.constant 0 : i32
    %c0_i32_0 = arith.constant 0 : i32
    %c0_i32_1 = arith.constant 0 : i32
    return %c0_i32, %arg0, %c0_i32_0 : i32, i32, i32
  }
  func.func @transform_1(%arg0: i32) -> (i32, i32, i32) {
    %c0_i32 = arith.constant 0 : i32
    %c0_i32_0 = arith.constant 0 : i32
    %c0_i32_1 = arith.constant 0 : i32
    return %c0_i32, %arg0, %c0_i32_0 : i32, i32, i32
  }
  func.func @transform_2(%arg0: i32) -> (i32, i32) {
    %c0_i32 = arith.constant 0 : i32
    %c0_i32_0 = arith.constant 0 : i32
    return %arg0, %c0_i32 : i32, i32
  }
  func.func @transform_3(%arg0: i32) -> (i32, i32) {
    %c0_i32 = arith.constant 0 : i32
    %c0_i32_0 = arith.constant 0 : i32
    %c0_i32_1 = arith.constant 0 : i32
    return %c0_i32, %c0_i32_0 : i32, i32
  }
  func.func @transform_4(%arg0: i32) -> (i32, i32) {
    %c0_i32 = arith.constant 0 : i32
    %c0_i32_0 = arith.constant 0 : i32
    %c0_i32_1 = arith.constant 0 : i32
    return %c0_i32, %c0_i32_0 : i32, i32
  }
  func.func @transform_5(%arg0: i32) -> (i32, i32) {
    %c0_i32 = arith.constant 0 : i32
    %c0_i32_0 = arith.constant 0 : i32
    %c0_i32_1 = arith.constant 0 : i32
    return %c0_i32, %c0_i32_0 : i32, i32
  }
  func.func @transform_6(%arg0: i32) -> (i32, i32) {
    %c0_i32 = arith.constant 0 : i32
    %c0_i32_0 = arith.constant 0 : i32
    return %arg0, %c0_i32 : i32, i32
  }
  func.func @transform_7(%arg0: i32) -> (i32, i32) {
    %c0_i32 = arith.constant 0 : i32
    %c0_i32_0 = arith.constant 0 : i32
    return %arg0, %c0_i32 : i32, i32
  }
}

module attributes {stable_mosaic.version = 14 : i64} {
  func.func @body(%arg0: i32, %arg1: memref<2x1000x128xf32, #tpu.memory_space<vmem>>, %arg2: memref<2x1000x1xf32, #tpu.memory_space<vmem>>, %arg3: memref<1000x128xf32, #tpu.memory_space<vmem>>, %arg4: memref<128x128xf32, #tpu.memory_space<vmem>>, %arg5: memref<1x128xf32, #tpu.memory_space<vmem>>, %arg6: memref<128x128xf32, #tpu.memory_space<vmem>>, %arg7: memref<1x128xf32, #tpu.memory_space<vmem>>, %arg8: memref<128x128xf32, #tpu.memory_space<vmem>>, %arg9: memref<1x128xf32, #tpu.memory_space<vmem>>, %arg10: memref<32x128xf32, #tpu.memory_space<vmem>>, %arg11: memref<1x32xf32, #tpu.memory_space<vmem>>, %arg12: memref<1x32xf32, #tpu.memory_space<vmem>>, %arg13: memref<1x1xf32, #tpu.memory_space<vmem>>, %arg14: memref<1000x1xf32, #tpu.memory_space<vmem>>) attributes {dimension_semantics = [#tpu.dimension_semantics<arbitrary>], iteration_bounds = array<i64: 10>, scalar_prefetch = 0 : i64, scratch_operands = 0 : i64, tpu.core_type = #tpu.core_type<tc>, window_params = [{transform_indices = @transform_0, window_bounds = array<i64: 2, 1000, 128>}, {transform_indices = @transform_1, window_bounds = array<i64: 2, 1000, 1>}, {transform_indices = @transform_2, window_bounds = array<i64: 1000, 128>}, {pipeline_mode = #tpu.pipeline_mode<synchronous>, transform_indices = @transform_3, window_bounds = array<i64: 128, 128>}, {pipeline_mode = #tpu.pipeline_mode<synchronous>, transform_indices = @transform_4, window_bounds = array<i64: 1, 128>}, {pipeline_mode = #tpu.pipeline_mode<synchronous>, transform_indices = @transform_5, window_bounds = array<i64: 128, 128>}, {pipeline_mode = #tpu.pipeline_mode<synchronous>, transform_indices = @transform_6, window_bounds = array<i64: 1, 128>}, {pipeline_mode = #tpu.pipeline_mode<synchronous>, transform_indices = @transform_7, window_bounds = array<i64: 128, 128>}, {pipeline_mode = #tpu.pipeline_mode<synchronous>, transform_indices = @transform_8, window_bounds = array<i64: 1, 128>}, {pipeline_mode = #tpu.pipeline_mode<synchronous>, transform_indices = @transform_9, window_bounds = array<i64: 32, 128>}, {pipeline_mode = #tpu.pipeline_mode<synchronous>, transform_indices = @transform_10, window_bounds = array<i64: 1, 32>}, {pipeline_mode = #tpu.pipeline_mode<synchronous>, transform_indices = @transform_11, window_bounds = array<i64: 1, 32>}, {pipeline_mode = #tpu.pipeline_mode<synchronous>, transform_indices = @transform_12, window_bounds = array<i64: 1, 1>}, {transform_indices = @transform_13, window_bounds = array<i64: 1000, 1>}]} {
    %get3A = arith.constant 0 : index
    %get3A_0 = arith.constant 0 : index
    %get3A_1 = arith.constant 0 : index
    %get3A_2 = vector.load %arg1[%get3A, %get3A_0, %get3A_1] : memref<2x1000x128xf32, #tpu.memory_space<vmem>>, vector<1x1000x128xf32>
    %get3A_3 = vector.shape_cast %get3A_2 : vector<1x1000x128xf32> to vector<1000x128xf32>
    %get3A_4 = arith.constant 1 : index
    %get3A_5 = arith.constant 0 : index
    %get3A_6 = arith.constant 0 : index
    %get3A_7 = vector.load %arg1[%get3A_4, %get3A_5, %get3A_6] : memref<2x1000x128xf32, #tpu.memory_space<vmem>>, vector<1x1000x128xf32>
    %get3A_8 = vector.shape_cast %get3A_7 : vector<1x1000x128xf32> to vector<1000x128xf32>
    %add3A = arith.addf %get3A_3, %get3A_8 : vector<1000x128xf32>
    %get3A_9 = arith.constant 0 : index
    %get3A_10 = arith.constant 0 : index
    %get3A_11 = arith.constant 0 : index
    %get3A_12 = vector.load %arg2[%get3A_9, %get3A_10, %get3A_11] : memref<2x1000x1xf32, #tpu.memory_space<vmem>>, vector<1x1000x1xf32>
    %get3A_13 = vector.shape_cast %get3A_12 : vector<1x1000x1xf32> to vector<1000x1xf32>
    %get3A_14 = arith.constant 1 : index
    %get3A_15 = arith.constant 0 : index
    %get3A_16 = arith.constant 0 : index
    %get3A_17 = vector.load %arg2[%get3A_14, %get3A_15, %get3A_16] : memref<2x1000x1xf32, #tpu.memory_space<vmem>>, vector<1x1000x1xf32>
    %get3A_18 = vector.shape_cast %get3A_17 : vector<1x1000x1xf32> to vector<1000x1xf32>
    %add3A_19 = arith.addf %get3A_13, %get3A_18 : vector<1000x1xf32>
    %max3A = arith.constant 1.000000e+00 : f32
    %max3A_20 = vector.broadcast %max3A : f32 to vector<1000x1xf32>
    %max3A_21 = arith.maximumf %add3A_19, %max3A_20 : vector<1000x1xf32>
    %div3A = vector.broadcast %max3A_21 : vector<1000x1xf32> to vector<1000x128xf32>
    %div3A_22 = arith.divf %add3A, %div3A : vector<1000x128xf32>
    %get3A_23 = arith.constant 0 : index
    %get3A_24 = arith.constant 0 : index
    %get3A_25 = vector.load %arg5[%get3A_23, %get3A_24] : memref<1x128xf32, #tpu.memory_space<vmem>>, vector<1x128xf32>
    %add3A_26 = vector.broadcast %get3A_25 : vector<1x128xf32> to vector<1000x128xf32>
    %add3A_27 = arith.addf %div3A_22, %add3A_26 : vector<1000x128xf32>
    %get3A_28 = arith.constant 0 : index
    %get3A_29 = arith.constant 0 : index
    %get3A_30 = vector.load %arg3[%get3A_28, %get3A_29] : memref<1000x128xf32, #tpu.memory_space<vmem>>, vector<1000x128xf32>
    %get3A_31 = arith.constant 0 : index
    %get3A_32 = arith.constant 0 : index
    %get3A_33 = vector.load %arg4[%get3A_31, %get3A_32] : memref<128x128xf32, #tpu.memory_space<vmem>>, vector<128x128xf32>
    %dot_general3A = arith.constant dense<0.000000e+00> : vector<1000x128xf32>
    %dot_general3A_34 = tpu.matmul %get3A_30, %get3A_33, %dot_general3A {dimension_numbers = #tpu.dot_dimension_numbers<[1], [1], [0], [0], [0, 0, 1, 0], [], []>, transpose_lhs_hint = false} : vector<1000x128xf32>, vector<128x128xf32>, vector<1000x128xf32> -> vector<1000x128xf32>
    %add3A_35 = arith.addf %add3A_27, %dot_general3A_34 : vector<1000x128xf32>
    %reduce_max3A = arith.constant dense<0xFF800000> : vector<1000xf32>
    %reduce_max3A_36 = vector.multi_reduction <maximumf>, %add3A_35, %reduce_max3A [1] : vector<1000x128xf32> to vector<1000xf32>
    %broadcast_in_dim3A = vector.shape_cast %reduce_max3A_36 : vector<1000xf32> to vector<1000x1xf32>
    %sub3A = vector.broadcast %broadcast_in_dim3A : vector<1000x1xf32> to vector<1000x128xf32>
    %sub3A_37 = arith.subf %add3A_35, %sub3A : vector<1000x128xf32>
    %exp3A = math.exp %sub3A_37 : vector<1000x128xf32>
    %reduce_sum3A = arith.constant dense<0.000000e+00> : vector<1000xf32>
    %reduce_sum3A_38 = vector.multi_reduction <add>, %exp3A, %reduce_sum3A [1] : vector<1000x128xf32> to vector<1000xf32>
    %broadcast_in_dim3A_39 = vector.shape_cast %reduce_sum3A_38 : vector<1000xf32> to vector<1000x1xf32>
    %log3A = math.log %broadcast_in_dim3A_39 : vector<1000x1xf32>
    %add3A_40 = arith.addf %log3A, %broadcast_in_dim3A : vector<1000x1xf32>
    %sub3A_41 = vector.broadcast %add3A_40 : vector<1000x1xf32> to vector<1000x128xf32>
    %sub3A_42 = arith.subf %add3A_35, %sub3A_41 : vector<1000x128xf32>
    %get3A_43 = arith.constant 0 : index
    %get3A_44 = arith.constant 0 : index
    %get3A_45 = vector.load %arg6[%get3A_43, %get3A_44] : memref<128x128xf32, #tpu.memory_space<vmem>>, vector<128x128xf32>
    %dot_general3A_46 = arith.constant dense<0.000000e+00> : vector<1000x128xf32>
    %dot_general3A_47 = tpu.matmul %sub3A_42, %get3A_45, %dot_general3A_46 {dimension_numbers = #tpu.dot_dimension_numbers<[1], [1], [0], [0], [0, 0, 1, 0], [], []>, transpose_lhs_hint = false} : vector<1000x128xf32>, vector<128x128xf32>, vector<1000x128xf32> -> vector<1000x128xf32>
    %get3A_48 = arith.constant 0 : index
    %get3A_49 = arith.constant 0 : index
    %get3A_50 = vector.load %arg7[%get3A_48, %get3A_49] : memref<1x128xf32, #tpu.memory_space<vmem>>, vector<1x128xf32>
    %add3A_51 = vector.broadcast %get3A_50 : vector<1x128xf32> to vector<1000x128xf32>
    %add3A_52 = arith.addf %dot_general3A_47, %add3A_51 : vector<1000x128xf32>
    %max3A_53 = arith.constant 0.000000e+00 : f32
    %max3A_54 = vector.broadcast %max3A_53 : f32 to vector<1000x128xf32>
    %max3A_55 = arith.maximumf %add3A_52, %max3A_54 : vector<1000x128xf32>
    %get3A_56 = arith.constant 0 : index
    %get3A_57 = arith.constant 0 : index
    %get3A_58 = vector.load %arg8[%get3A_56, %get3A_57] : memref<128x128xf32, #tpu.memory_space<vmem>>, vector<128x128xf32>
    %dot_general3A_59 = arith.constant dense<0.000000e+00> : vector<1000x128xf32>
    %dot_general3A_60 = tpu.matmul %max3A_55, %get3A_58, %dot_general3A_59 {dimension_numbers = #tpu.dot_dimension_numbers<[1], [1], [0], [0], [0, 0, 1, 0], [], []>, transpose_lhs_hint = false} : vector<1000x128xf32>, vector<128x128xf32>, vector<1000x128xf32> -> vector<1000x128xf32>
    %get3A_61 = arith.constant 0 : index
    %get3A_62 = arith.constant 0 : index
    %get3A_63 = vector.load %arg9[%get3A_61, %get3A_62] : memref<1x128xf32, #tpu.memory_space<vmem>>, vector<1x128xf32>
    %add3A_64 = vector.broadcast %get3A_63 : vector<1x128xf32> to vector<1000x128xf32>
    %add3A_65 = arith.addf %dot_general3A_60, %add3A_64 : vector<1000x128xf32>
    %get3A_66 = arith.constant 0 : index
    %get3A_67 = arith.constant 0 : index
    %get3A_68 = vector.load %arg10[%get3A_66, %get3A_67] : memref<32x128xf32, #tpu.memory_space<vmem>>, vector<32x128xf32>
    %dot_general3A_69 = arith.constant dense<0.000000e+00> : vector<1000x32xf32>
    %dot_general3A_70 = tpu.matmul %add3A_65, %get3A_68, %dot_general3A_69 {dimension_numbers = #tpu.dot_dimension_numbers<[1], [1], [0], [0], [0, 0, 1, 0], [], []>, transpose_lhs_hint = false} : vector<1000x128xf32>, vector<32x128xf32>, vector<1000x32xf32> -> vector<1000x32xf32>
    %get3A_71 = arith.constant 0 : index
    %get3A_72 = arith.constant 0 : index
    %get3A_73 = vector.load %arg11[%get3A_71, %get3A_72] : memref<1x32xf32, #tpu.memory_space<vmem>>, vector<1x32xf32>
    %add3A_74 = vector.broadcast %get3A_73 : vector<1x32xf32> to vector<1000x32xf32>
    %add3A_75 = arith.addf %dot_general3A_70, %add3A_74 : vector<1000x32xf32>
    %max3A_76 = arith.constant 0.000000e+00 : f32
    %max3A_77 = vector.broadcast %max3A_76 : f32 to vector<1000x32xf32>
    %max3A_78 = arith.maximumf %add3A_75, %max3A_77 : vector<1000x32xf32>
    %get3A_79 = arith.constant 0 : index
    %get3A_80 = arith.constant 0 : index
    %get3A_81 = vector.load %arg12[%get3A_79, %get3A_80] : memref<1x32xf32, #tpu.memory_space<vmem>>, vector<1x32xf32>
    %mul3A = vector.broadcast %get3A_81 : vector<1x32xf32> to vector<1000x32xf32>
    %mul3A_82 = arith.mulf %max3A_78, %mul3A : vector<1000x32xf32>
    %reduce_sum3A_83 = arith.constant dense<0.000000e+00> : vector<1000xf32>
    %reduce_sum3A_84 = vector.multi_reduction <add>, %mul3A_82, %reduce_sum3A_83 [1] : vector<1000x32xf32> to vector<1000xf32>
    %broadcast_in_dim3A_85 = vector.shape_cast %reduce_sum3A_84 : vector<1000xf32> to vector<1000x1xf32>
    %get3A_86 = arith.constant 0 : index
    %get3A_87 = arith.constant 0 : index
    %get3A_88 = vector.load %arg13[%get3A_86, %get3A_87] : memref<1x1xf32, #tpu.memory_space<vmem>>, vector<1x1xf32>
    %add3A_89 = vector.broadcast %get3A_88 : vector<1x1xf32> to vector<1000x1xf32>
    %add3A_90 = arith.addf %broadcast_in_dim3A_85, %add3A_89 : vector<1000x1xf32>
    %swap3A = arith.constant 0 : index
    %swap3A_91 = arith.constant 0 : index
    %swap3A_92 = vector.load %arg14[%swap3A, %swap3A_91] : memref<1000x1xf32, #tpu.memory_space<vmem>>, vector<1000x1xf32>
    tpu.vector_store %arg14[%swap3A, %swap3A_91], %add3A_90 {strides = array<i32>} : memref<1000x1xf32, #tpu.memory_space<vmem>>, vector<1000x1xf32>,
    return
  }
  func.func @transform_0(%arg0: i32) -> (i32, i32, i32) {
    %c0_i32 = arith.constant 0 : i32
    %c0_i32_0 = arith.constant 0 : i32
    %c0_i32_1 = arith.constant 0 : i32
    return %c0_i32, %arg0, %c0_i32_0 : i32, i32, i32
  }
  func.func @transform_1(%arg0: i32) -> (i32, i32, i32) {
    %c0_i32 = arith.constant 0 : i32
    %c0_i32_0 = arith.constant 0 : i32
    %c0_i32_1 = arith.constant 0 : i32
    return %c0_i32, %arg0, %c0_i32_0 : i32, i32, i32
  }
  func.func @transform_2(%arg0: i32) -> (i32, i32) {
    %c0_i32 = arith.constant 0 : i32
    %c0_i32_0 = arith.constant 0 : i32
    return %arg0, %c0_i32 : i32, i32
  }
  func.func @transform_3(%arg0: i32) -> (i32, i32) {
    %c0_i32 = arith.constant 0 : i32
    %c0_i32_0 = arith.constant 0 : i32
    %c0_i32_1 = arith.constant 0 : i32
    return %c0_i32, %c0_i32_0 : i32, i32
  }
  func.func @transform_4(%arg0: i32) -> (i32, i32) {
    %c0_i32 = arith.constant 0 : i32
    %c0_i32_0 = arith.constant 0 : i32
    %c0_i32_1 = arith.constant 0 : i32
    return %c0_i32, %c0_i32_0 : i32, i32
  }
  func.func @transform_5(%arg0: i32) -> (i32, i32) {
    %c0_i32 = arith.constant 0 : i32
    %c0_i32_0 = arith.constant 0 : i32
    %c0_i32_1 = arith.constant 0 : i32
    return %c0_i32, %c0_i32_0 : i32, i32
  }
  func.func @transform_6(%arg0: i32) -> (i32, i32) {
    %c0_i32 = arith.constant 0 : i32
    %c0_i32_0 = arith.constant 0 : i32
    %c0_i32_1 = arith.constant 0 : i32
    return %c0_i32, %c0_i32_0 : i32, i32
  }
  func.func @transform_7(%arg0: i32) -> (i32, i32) {
    %c0_i32 = arith.constant 0 : i32
    %c0_i32_0 = arith.constant 0 : i32
    %c0_i32_1 = arith.constant 0 : i32
    return %c0_i32, %c0_i32_0 : i32, i32
  }
  func.func @transform_8(%arg0: i32) -> (i32, i32) {
    %c0_i32 = arith.constant 0 : i32
    %c0_i32_0 = arith.constant 0 : i32
    %c0_i32_1 = arith.constant 0 : i32
    return %c0_i32, %c0_i32_0 : i32, i32
  }
  func.func @transform_9(%arg0: i32) -> (i32, i32) {
    %c0_i32 = arith.constant 0 : i32
    %c0_i32_0 = arith.constant 0 : i32
    %c0_i32_1 = arith.constant 0 : i32
    return %c0_i32, %c0_i32_0 : i32, i32
  }
  func.func @transform_10(%arg0: i32) -> (i32, i32) {
    %c0_i32 = arith.constant 0 : i32
    %c0_i32_0 = arith.constant 0 : i32
    %c0_i32_1 = arith.constant 0 : i32
    return %c0_i32, %c0_i32_0 : i32, i32
  }
  func.func @transform_11(%arg0: i32) -> (i32, i32) {
    %c0_i32 = arith.constant 0 : i32
    %c0_i32_0 = arith.constant 0 : i32
    %c0_i32_1 = arith.constant 0 : i32
    return %c0_i32, %c0_i32_0 : i32, i32
  }
  func.func @transform_12(%arg0: i32) -> (i32, i32) {
    %c0_i32 = arith.constant 0 : i32
    %c0_i32_0 = arith.constant 0 : i32
    %c0_i32_1 = arith.constant 0 : i32
    return %c0_i32, %c0_i32_0 : i32, i32
  }
  func.func @transform_13(%arg0: i32) -> (i32, i32) {
    %c0_i32 = arith.constant 0 : i32
    %c0_i32_0 = arith.constant 0 : i32
    return %arg0, %c0_i32 : i32, i32
  }
}

</mosaic_0001>

<sc_bundles>
// kernel: kernel.10.cloned.1.call-start
scs
__scs_entry_jumppad:
0x0: {  	(pc) =	sbr.rel $0x88, $3  }
0x1: {  	(tag) =	ssettag $0x0;
	lr =	simm.s32 $0x1  }
0x2: {  	[smem:$0x3F90] =	sst lr;
	_ =	strace $0xD0000000  }
0x3: {  	_ = 	snop  }
0x4: {  	_ = 	snop  }
0x5: {  	_ = 	snop  }
0x6: {  	_ = 	snop  }
0x7: {  	_ = 	snop  }
__scs_overlays_trampoline_lowered:
0x8: {  	[smem:$0x3F9F] =	sst s0  }
0x9: {  	[smem:$0x3FA0] =	sst s1  }
0xa: {  	[smem:$0x3FA1] =	sst s2  }
0xb: {  	[smem:$0x3FA2] =	sst s3  }
0xc: {  	[smem:$0x3FA3] =	sst s4  }
0xd: {  	[smem:$0x3FA4] =	sst s5  }
0xe: {  	[smem:$0x3FA5] =	sst s6  }
0xf: {  	[smem:$0x3FA6] =	sst s7  }
0x10: {  	[smem:$0x3FA7] =	sst s8  }
0x11: {  	[smem:$0x3FA8] =	sst s9;
	s0 =	simm.s32 @!p0 $0x0  }
0x12: {  	s1 =	sld [smem:$0x3F8E];
	s0 =	simm.s32 @p0 $0x1  }
0x13: {  	[smem:$0x3FA9] =	sst s0;
	s0 =	simm.s32 @!p1 $0x0  }
0x14: {  	s2 =	sld [smem:$0x3F8D];
	s0 =	simm.s32 @p1 $0x1  }
0x15: {  	[smem:$0x3FAA] =	sst s0;
	s0 =	simm.s32 @!p2 $0x0  }
0x16: {  	s3 =	sld [smem:$0x3FDB];
	s0 =	simm.s32 @p2 $0x1  }
0x17: {  	s4 =	simm.s32 $0x1BF5;
	[smem:$0x3FAC] =	sst s0  }
0x18: {  	s0 =	sld [smem:$0x3F8F];
	_ =	swait.ge [sflag:s4], $0x0  }
0x19: {  	s7 =	sld [smem:$0x3F90]  }
0x1a: {  	s8 =	sadd.s32 $0xFFFFE003, lr  }
0x1b: {  	s9 =	sadd.s32 $0xFFFFFEF7, lr;
	s5 =	simm.s32 $0xFFFFFFFF;
	p2 =	slt.u32 s8, $0xFFFFF086  }
0x1c: {  	p1 =	slt.u32 s9, $0xF7A;
	s5 =	simm.s32 @!p2 $0x0  }
0x1d: {  	s5 =	simm.s32 @p1 $0x1;
	p0 =	seq.s32 s7, s2  }
0x1e: {  	s7 =	smul.u32 @!p0 $0xF7A, s2;
	p2 =	seq.s32 @!p0 s5, $0x0  }
0x1f: {  	s9 =	smul.u32 $0xF7A, s1;
	s8 =	simm.s32 @!p0 $0x1BF5;
	p2 =	por !p2, p0  }
0x20: {  	[sflag:s8] =	ssyncset.s32 @!p0 $0xFFFFF086;
	s6 =	sadd.s32 @!p0 s3, s7;
	s7 =	simm.s32 @!p0 $0x108  }
0x21: {  	s3 =	sadd.s32 s3, s9;
	s6 =	sadd.s32 @!p0 $0x88, s6;
	s7 =	simm.s32 @p2 $0x1082  }
0x22: {  	[simem:s7], [sflag:s8] =	dma.local @!p0 [hbm:s6], $0xF7A  }
0x23: {  	s9 =	sor.u32 $0xD0000000, s2;
	s6 =	simm.s32 $0x108;
	_ =	swait.ge @!p0 [sflag:s8], $0x0  }
0x24: {  	s3 =	sadd.s32 $0x88, s3;
	s6 =	simm.s32 @!p1 $0x1082;
	[sflag:s4] =	ssyncset.s32 $0xFFFFF086  }
0x25: {  	[simem:s6], [sflag:s4] =	dma.local [hbm:s3], $0xF7A  }
0x26: {  	[smem:$0x3F90] =	sst s1;
	(tag) =	ssettag s2;
	_ =	strace s9  }
0x27: {  	s1 =	sld [smem:$0x3FA0]  }
0x28: {  	s2 =	sld [smem:$0x3FA1]  }
0x29: {  	s4 =	sld [smem:$0x3FA3]  }
0x2a: {  	p0 =	seq.s32 s5, $0x0;
	s5 =	sld [smem:$0x3FA4]  }
0x2b: {  	s6 =	sld [smem:$0x3FA5]  }
0x2c: {  	s7 =	sld [smem:$0x3FA6]  }
0x2d: {  	s3 =	simm.s32 $0x108;
	s8 =	sld [smem:$0x3FA7]  }
0x2e: {  	s3 =	simm.s32 @!p0 $0x1082;
	s9 =	sld [smem:$0x3FA8]  }
0x2f: {  	lr =	sadd.s32 s0, s3;
	s0 =	sld [smem:$0x3F9F]  }
0x30: {  	s3 =	sld [smem:$0x3FA2]  }
0x31: {  	[smem:$0x3FAB] =	sst s10  }
0x32: {  	s10 =	sld [smem:$0x3FA9];
	_ =	sdelay $0x3  }
0x33: {  	p0 =	seq.s32 s10, $0x1;
	s10 =	sld [smem:$0x3FAB];
	_ =	sdelay $0x3  }
0x34: {  	[smem:$0x3FAB] =	sst s10  }
0x35: {  	s10 =	sld [smem:$0x3FAA];
	_ =	sdelay $0x3  }
0x36: {  	p1 =	seq.s32 s10, $0x1;
	s10 =	sld [smem:$0x3FAB];
	_ =	sdelay $0x3  }
0x37: {  	[smem:$0x3FAB] =	sst s10  }
0x38: {  	s10 =	sld [smem:$0x3FAC]  }
0x39: {  	_ = 	snop;
	(pc) =	sbr.ind lr, $3  }
0x3a: {  	_ = 	snop  }
0x3b: {  	_ = 	snop  }
0x3c: {  	p2 =	seq.s32 s10, $0x1;
	s10 =	sld [smem:$0x3FAB]  }
0x3d: {  	_ =	shalt  }
0x3e: {  	_ =	shalt  }
0x3f: {  	_ =	shalt  }
0x40: {  	_ =	shalt  }
0x41: {  	_ =	shalt  }
0x42: {  	_ =	shalt  }
0x43: {  	_ =	shalt  }
0x44: {  	_ =	shalt  }
0x45: {  	_ =	shalt  }
0x46: {  	_ =	shalt  }
0x47: {  	_ =	shalt  }
0x48: {  	_ =	shalt  }
0x49: {  	_ =	shalt  }
0x4a: {  	_ =	shalt  }
0x4b: {  	_ =	shalt  }
0x4c: {  	_ =	shalt  }
0x4d: {  	_ =	shalt  }
0x4e: {  	_ =	shalt  }
0x4f: {  	_ =	shalt  }
0x50: {  	_ =	shalt  }
0x51: {  	_ =	shalt  }
0x52: {  	_ =	shalt  }
0x53: {  	_ =	shalt  }
0x54: {  	_ =	shalt  }
0x55: {  	_ =	shalt  }
0x56: {  	_ =	shalt  }
0x57: {  	_ =	shalt  }
0x58: {  	_ =	shalt  }
0x59: {  	_ =	shalt  }
0x5a: {  	_ =	shalt  }
0x5b: {  	_ =	shalt  }
0x5c: {  	_ =	shalt  }
0x5d: {  	_ =	shalt  }
0x5e: {  	_ =	shalt  }
0x5f: {  	_ =	shalt  }
0x60: {  	_ =	shalt  }
0x61: {  	_ =	shalt  }
0x62: {  	_ =	shalt  }
0x63: {  	_ =	shalt  }
0x64: {  	_ =	shalt  }
0x65: {  	_ =	shalt  }
0x66: {  	_ =	shalt  }
0x67: {  	_ =	shalt  }
0x68: {  	_ =	shalt  }
0x69: {  	_ =	shalt  }
0x6a: {  	_ =	shalt  }
0x6b: {  	_ =	shalt  }
0x6c: {  	_ =	shalt  }
0x6d: {  	_ =	shalt  }
0x6e: {  	_ =	shalt  }
0x6f: {  	_ =	shalt  }
0x70: {  	_ =	shalt  }
0x71: {  	_ =	shalt  }
0x72: {  	_ =	shalt  }
0x73: {  	_ =	shalt  }
0x74: {  	_ =	shalt  }
0x75: {  	_ =	shalt  }
0x76: {  	_ =	shalt  }
0x77: {  	_ =	shalt  }
0x78: {  	_ =	shalt  }
0x79: {  	_ =	shalt  }
0x7a: {  	_ =	shalt  }
0x7b: {  	_ =	shalt  }
0x7c: {  	_ =	shalt  }
0x7d: {  	_ =	shalt  }
0x7e: {  	_ =	shalt  }
0x7f: {  	_ =	shalt  }
0x80: {  	_ =	shalt  }
0x81: {  	_ =	shalt  }
0x82: {  	_ =	shalt  }
0x83: {  	_ =	shalt  }
0x84: {  	_ =	shalt  }
0x85: {  	_ =	shalt  }
0x86: {  	_ =	shalt  }
0x87: {  	_ =	shalt  }
.Lfunc_end0:
.L_simem_size_0:
called_computation.1_lowered:
.L_overlay_start_0:
0x88: {  	s2 =	sld [smem:$0x3FD9]  }
0x89: {  	s3 =	sld [smem:$0x3FFE];
	_ =	sdelay $0x1  }
0x8a: {  	s1 =	srdreg.scid  }
0x8b: {  	s0 =	sand.u32 $0x1, s1  }
0x8c: {  	s16 =	sshll.u32 s0, $0xA;
	s2 =	sadd.s32 s3, s2  }
0x8d: {  	s2 =	sadd.s32 s2, s16  }
0x8e: {  	[smem:$0x3FB7] =	sst s2  }
0x8f: {  	_ = 	snop  }
0x90: {  	(tm) =	ssettm $0x1  }
0x91: {  	s17 =	sld [smem:$0x3FFB];
	_ =	sdelay $0x3  }
0x92: {  	_ =	strace s17  }
0x93: {  	s2 =	sld [smem:$0x3FFC];
	_ =	sdelay $0x3  }
0x94: {  	_ =	strace s2  }
0x95: {  	s2 =	sld [smem:$0x3FFD];
	_ =	sdelay $0x3  }
0x96: {  	_ =	strace s2  }
0x97: {  	_ =	strace $0x8FFFFFFF  }
0x98: {  	s18 =	sld [smem:$0x3FDB];
	_ =	sdelay $0x1  }
0x99: {  	s19 =	simm.s32 $_scs_section_size  }
0x9a: {  	s4 =	simm.s32 $_size__tile_overlayer_lowered;
	s5 =	simm.s32 $_tile_overlayer_lowered  }
0x9b: {  	s22 =	simm.s32 $0x1BFF;
	s21 =	sshll.u32 s5, $0x1;
	s2 =	sadd.s32 s19, s18  }
0x9c: {  	s6 =	simm.s32 $0x0;
	s20 =	sshll.u32 s4, $0x1;
	s4 =	sadd.s32 s21, s2  }
0x9d: {  	[timem:s6], [sflag:s22] =	dma.local [hbm:s4], s20  }
0x9e: {  	_ =	swait.ge [sflag:s22], s20  }
0x9f: {  	s3 =	ssub.s32 $0x0, s20;
	[sflag:s22] =	ssyncset.done $0x0  }
0xa0: {  	[sflag:s22] =	ssyncadd.s32 s3;
	_ =	sdelay $0x1  }
0xa1: {  	s23 =	simm.s32 $0x1B8B  }
0xa2: {  	_ =	swait.ge [sflag:s23], $0x1  }
0xa3: {  	[sflag:s23] =	ssyncset.done $0x0  }
0xa4: {  	s25 =	simm.s32 $0x1B8E;
	s24 =	sld [smem:$0x3FFE];
	[sflag:s23] =	ssyncadd.s32 $0xFFFFFFFF  }
0xa5: {  	s26 =	simm.s32 $execute0_lowered;
	[smem:$0x3FD2] =	sst s25  }
0xa6: {  	s4 =	sshll.u32 s26, $0x1;
	_ =	strace $0x80000049;
	[dreg:$0x1] =	wrdreg $0xFFFFFFFF  }
0xa7: {  	s28 =	simm.s32 $_size_execute0_lowered;
	s2 =	sadd.s32 s2, s4;
	[dreg:$0x0] =	wrdreg $0x0  }
0xa8: {  	s4 =	sshll.u32 s28, $0x1;
	[dreg:$0x2] =	wrdreg s2  }
0xa9: {  	[dreg:$0x3] =	wrdreg s4  }
0xaa: {  	[dreg:$0x4] =	wrdreg $0xC0  }
0xab: {  	_ =	task [dreg:s6], $0x5FFFF  }
0xac: {  	[dreg:$0x1] =	wrdreg $0xFFFFFFFF  }
0xad: {  	[dreg:$0x0] =	wrdreg $0x60  }
0xae: {  	[dreg:$0x2] =	wrdreg s24  }
0xaf: {  	[dreg:$0x3] =	wrdreg $0xBB000  }
0xb0: {  	[dreg:$0x4] =	wrdreg $0x1FB000  }
0xb1: {  	[dreg:$0x5] =	wrdreg $0x9  }
0xb2: {  	_ =	task.clear_ibuf [dreg:s6], $0x6FFFF;
	_ =	strace $0x90000049  }
0xb3: {  	s29 =	simm.s32 $0x9;
	_ =	strace $0x8000004B  }
0xb4: {  	_ =	swait.ge [sflag:s29], $0x1  }
0xb5: {  	[sflag:s29] =	ssyncadd.s32 $0xFFFFFFFF  }
0xb6: {  	_ =	strace $0x9000004B  }
0xb7: {  	_ =	sfence  }
0xb8: {  	s30 =	sld [smem:$0x0];
	_ =	sdelay $0x2  }
0xb9: {  	s31 =	sshll.u32 s1, $0xD;
	s1 =	sshrl.u32 s1, $0x2  }
0xba: {  	s3 =	sand.u32 $0x4000, s31;
	s1 =	sadd.s32 s1, s30  }
0xbb: {  	s0 =	sor.u32 s3, s0;
	s1 =	sshll.u32 s1, $0x11  }
0xbc: {  	s0 =	sor.u32 s1, s0  }
0xbd: {  	s0 =	sadd.s32 $0x8F2B, s0  }
0xbe: {  	[sflag:s0] =	ssyncadd.remote.s32 $0x1  }
0xbf: {  	_ =	sfence.sel $0xFFFF  }
0xc0: {  	[dreg:$0x0] =	wrdreg $0xFFFFFFFF;
	(pc) =	sbr.abs _section_cstart, $3  }
0xc1: {  	[dreg:$0x1] =	wrdreg $0xFFFFFFFF  }
0xc2: {  	_ =	task.clear_ibuf [dreg:s6], $0x2FFFF;
	_ =	strace $0x9FFFFFFF  }
0xc3: {  	(tm) =	ssettm $0x7FFFFFFF  }
tec
execute0_lowered:
.L_overlay_start_1:
0x0: {  	(tag) =	ssettag $0x1  }
0x1: {  	s0 =	rddreg [dreg:$0x0]  }
0x2: {  	s1 =	rddreg [dreg:$0x1];
	s13 =	stileid.u32  }
0x3: {  	s2 =	rddreg [dreg:$0x2];
	s7 =	smul.u32 $0x14000, s13  }
0x4: {  	s3 =	srdreg.scid;
	s4 =	simm.s32 $0x0;
	s24 =	smul.u32 $0x500, s13  }
0x5: {  	s3 =	sand.u32 $0x1, s3;
	[smem:$0x7FF] =	sst s4;
	s12 =	smul.u32 $0x50000, s13  }
0x6: {  	s5 =	sadd.s32 $0x2C00, s0;
	s9 =	sadd.s32 $0x8E800, s0;
	s25 =	smul.u32 $0xA00, s13  }
0x7: {  	s6 =	smul.u32 $0x140000, s3;
	_ =	strace $0x8000004A;
	s8 =	sshll.u32 s3, $0x4  }
0x8: {  	s11 =	sshll.u32 s3, $0x7;
	s3 =	ssub.s32 $0x2, s3;
	s8 =	sor.u32 s13, s8  }
0x9: {  	s26 =	sshrl.u32 s3, $0x1;
	s12 =	sshrl.u32 s12, $0x2;
	s13 =	sshrl.u32 s25, $0x2  }
0xa: {  	s6 =	sadd.s32 s7, s6;
	s10 =	smul.u32 $0xA00, s8;
	s7 =	sor.u32 s11, s24  }
0xb: {  	s8 =	smul.u32 $0x5000, s8;
	s3 =	ssub.s32 s3, s26;
	s11 =	simm.s32 $0xA880  }
0xc: {  	s6 =	sshrl.u32 s6, $0x3;
	s7 =	sshrl.u32 s7, $0x3;
	s15 =	smax.u32 s3, $0x1  }
0xd: {  	s3 =	simm.s32 $0x4;
	s6 =	sadd.s32 s6, s0;
	s0 =	sadd.s32 s7, s0  }
0xe: {  	s10 =	sadd.s32 s9, s10;
	s14 =	sshrl.u32 s8, $0x3;
	[dreg:$0x8] =	wrdreg s15  }
0xf: {  	s7 =	sadd.s32 s12, s1;
	[dreg:$0x4] =	wrdreg s10;
	s6 =	sadd.s32 $0x2A800, s6  }
0x10: {  	s8 =	sadd.s32 s13, s2;
	s0 =	sadd.s32 $0x29E00, s0;
	[dreg:$0x6] =	wrdreg s6  }
0x11: {  	s12 =	simm.s32 $0x80;
	s16 =	sadd.s32 $0x1000, s7;
	[dreg:$0x7] =	wrdreg s0  }
0x12: {  	s13 =	simm.s32 $0xA800;
	s17 =	sadd.s32 $0x2000, s7;
	[dreg:$0x9] =	wrdreg s16  }
0x13: {  	s15 =	simm.s32 $0x1;
	s18 =	sadd.s32 $0x3000, s7;
	[dreg:$0xa] =	wrdreg s17  }
0x14: {  	s9 =	sadd.s32 s9, s14;
	s19 =	sadd.s32 $0x4000, s7;
	[dreg:$0xb] =	wrdreg s18  }
0x15: {  	s20 =	sadd.s32 $0x5000, s7;
	s21 =	sadd.s32 $0x6000, s7;
	[dreg:$0xc] =	wrdreg s19  }
0x16: {  	s22 =	sadd.s32 $0x7000, s7;
	s23 =	sadd.s32 $0x8000, s7;
	[dreg:$0xd] =	wrdreg s20  }
0x17: {  	s24 =	sadd.s32 $0x9000, s7;
	s25 =	sadd.s32 $0xA000, s7;
	[dreg:$0xe] =	wrdreg s21  }
0x18: {  	s26 =	sadd.s32 $0xB000, s7;
	s28 =	sadd.s32 $0xF000, s7;
	[dreg:$0xf] =	wrdreg s22  }
0x19: {  	s29 =	sadd.s32 $0x10000, s7;
	s30 =	sadd.s32 $0x11000, s7;
	[dreg:$0x10] =	wrdreg s23  }
0x1a: {  	s31 =	sadd.s32 $0x12000, s7;
	s10 =	simm.s32 $0x6800;
	[dreg:$0x11] =	wrdreg s24  }
0x1b: {  	s14 =	simm.s32 $0x3;
	s9 =	sadd.s32 $0x500, s9;
	[dreg:$0x12] =	wrdreg s25  }
0x1c: {  	[dreg:$0x13] =	wrdreg s26;
	s24 =	sadd.s32 $0xC000, s7;
	s25 =	sadd.s32 $0xD000, s7  }
0x1d: {  	s26 =	sadd.s32 $0xE000, s7;
	s0 =	sadd.s32 $0x13000, s7;
	s6 =	simm.s32 $0x2800  }
0x1e: {  	v0 =	vimm.f32 $0.0e+00;
	v1 =	vimm.f32 $1.000000000e+00;
	s16 =	simm.s32 $0x2;
	[dreg:$0x5] =	wrdreg s9;
	s9 =	simm.s32 $0x100  }
.LBB2_1:
0x1f: {  	s17 =	simm.s32 $0x0;
	s18 =	simm.s32 $0x200  }
.LBB2_2:
0x20: {  	p0 =	sne.s32 s18, $0x3E00;
	[tilespmem:s17+$0xA8F0] =	vst v0  }
0x21: {  	[tilespmem:s17+$0xA880] =	vst v0  }
0x22: {  	[tilespmem:s17+$0xA890] =	vst v0  }
.Ltmp0:
0x23: {  	[tilespmem:s17+$0xA8A0] =	vst v0;
	(pc) =	sbr.rel @p0 .LBB2_2-.Ltmp0, $4  }
0x24: {  	[tilespmem:s17+$0xA8B0] =	vst v0  }
0x25: {  	[tilespmem:s17+$0xA8C0] =	vst v0  }
0x26: {  	[tilespmem:s17+$0xA8D0] =	vst v0  }
0x27: {  	[tilespmem:s17+$0xA8E0] =	vst v0;
	s17 =	sshra.s32 s18, $0x2;
	s18 =	sadd.s32 $0x200, s18  }
0x28: {  	[tilespmem:s17+$0xA8F0] =	vst v0  }
0x29: {  	[tilespmem:s17+$0xA880] =	vst v0  }
0x2a: {  	[tilespmem:s17+$0xA890] =	vst v0  }
0x2b: {  	[tilespmem:s17+$0xA8A0] =	vst v0  }
0x2c: {  	[tilespmem:s17+$0xA8B0] =	vst v0  }
0x2d: {  	[tilespmem:s17+$0xA8C0] =	vst v0  }
0x2e: {  	[tilespmem:s17+$0xA8D0] =	vst v0  }
0x2f: {  	[tilespmem:s17+$0xA8E0] =	vst v0  }
0x30: {  	[tilespmem:$0xB880] =	vst v0  }
0x31: {  	[tilespmem:$0xB890] =	vst v0  }
0x32: {  	[tilespmem:$0xB8A0] =	vst v0  }
0x33: {  	[tilespmem:$0xB8B0] =	vst v0  }
0x34: {  	[tilespmem:$0xB8C0] =	vst v0  }
0x35: {  	[tilespmem:$0xB8D0] =	vst v0  }
0x36: {  	[tilespmem:$0xB8E0] =	vst v0  }
0x37: {  	[tilespmem:$0xB8F0] =	vst v0  }
0x38: {  	[tilespmem:$0xB900] =	vst v0  }
0x39: {  	[tilespmem:$0xB910] =	vst v0  }
0x3a: {  	[tilespmem:$0xB920] =	vst v0  }
0x3b: {  	[tilespmem:$0xB930] =	vst v0  }
0x3c: {  	[tilespmem:$0xB940] =	vst v0  }
0x3d: {  	[tilespmem:$0xB950] =	vst v0  }
0x3e: {  	[tilespmem:$0xB960] =	vst v0  }
0x3f: {  	[tilespmem:$0xB970] =	vst v0  }
0x40: {  	[tilespmem:$0xB980] =	vst v0  }
0x41: {  	[tilespmem:$0xB990] =	vst v0  }
0x42: {  	[tilespmem:$0xB9A0] =	vst v0  }
0x43: {  	[tilespmem:$0xB9B0] =	vst v0  }
0x44: {  	[tilespmem:$0xB9C0] =	vst v0  }
0x45: {  	[tilespmem:$0xB9D0] =	vst v0  }
0x46: {  	[tilespmem:$0xB9E0] =	vst v0  }
0x47: {  	[tilespmem:$0xB9F0] =	vst v0  }
0x48: {  	[tilespmem:$0xBA00] =	vst v0  }
0x49: {  	[tilespmem:$0xBA10] =	vst v0  }
0x4a: {  	[tilespmem:$0xBA20] =	vst v0  }
0x4b: {  	[tilespmem:$0xBA30] =	vst v0  }
0x4c: {  	[tilespmem:$0xBA40] =	vst v0  }
0x4d: {  	[tilespmem:$0xBA50] =	vst v0  }
0x4e: {  	[tilespmem:$0xBA60] =	vst v0  }
0x4f: {  	[tilespmem:$0xBA70] =	vst v0  }
0x50: {  	[tilespmem:$0xBA80] =	vst v0  }
0x51: {  	[tilespmem:$0xBA90] =	vst v0  }
0x52: {  	[tilespmem:$0xBAA0] =	vst v0  }
0x53: {  	[tilespmem:$0xBAB0] =	vst v0  }
0x54: {  	[tilespmem:$0xBAC0] =	vst v0  }
0x55: {  	[tilespmem:$0xBAD0] =	vst v0  }
0x56: {  	[tilespmem:$0xBAE0] =	vst v0  }
0x57: {  	[tilespmem:$0xBAF0] =	vst v0  }
0x58: {  	[tilespmem:$0xA800] =	vst v1  }
0x59: {  	[tilespmem:$0xA810] =	vst v1  }
0x5a: {  	[tilespmem:$0xA820] =	vst v1  }
0x5b: {  	[tilespmem:$0xA830] =	vst v1  }
0x5c: {  	[tilespmem:$0xA840] =	vst v1  }
0x5d: {  	[tilespmem:$0xA850] =	vst v1  }
0x5e: {  	[tilespmem:$0xA860] =	vst v1  }
0x5f: {  	s17 =	simm.s32 $0x0;
	s18 =	rddreg [dreg:$0x4];
	[tilespmem:$0xA870] =	vst v1  }
0x60: {  	[tilespmem:s17], [sflag:$0x4] =	stream.linear.gather [hbm4b:s18+s17], $0x2800, $0x38;
	[tilespmem:$0x1FD80] =	vst v63  }
0x61: {  	_ =	swait.ge [sflag:s3], $0x2800  }
0x62: {  	[sflag:s3] =	ssyncset.done $0x0  }
0x63: {  	s18 =	simm.s32 $0x80;
	[sflag:s3] =	ssyncadd.s32 $0xFFFFD800  }
0x64: {  	[tilespmem:s6], [sflag:$0x1] =	stream.indirect.gather [hbm4b:s5+s18], $0x80, s17, s18, $0xb8;
	[tilespmem:$0x1FD80] =	vst v63  }
0x65: {  	_ = 	snop  }
0x66: {  	[tilespmem:s10], [sflag:$0x2] =	stream.indirect.gather [hbm4b:s5+s18], $0x80, s9, s18, $0xb8;
	[tilespmem:$0x1FD80] =	vst v63  }
0x67: {  	_ = 	snop  }
0x68: {  	[spmem:s7] =	stream.linear.scatter [tilespmem:s11], [sflag:$0x4], $0x1000, $0x38;
	[tilespmem:$0x1FD80] =	vst v63  }
0x69: {  	_ =	swait.ge [sflag:s3], $0x1000  }
0x6a: {  	[sflag:s3] =	ssyncset.done $0x0  }
0x6b: {  	s19 =	rddreg [dreg:$0x9];
	[sflag:s3] =	ssyncadd.s32 $0xFFFFF000  }
0x6c: {  	[spmem:s19] =	stream.linear.scatter [tilespmem:s11], [sflag:$0x4], $0x1000, $0x38;
	[tilespmem:$0x1FD80] =	vst v63  }
0x6d: {  	_ =	swait.ge [sflag:s3], $0x1000  }
0x6e: {  	[sflag:s3] =	ssyncset.done $0x0  }
0x6f: {  	s20 =	rddreg [dreg:$0xa];
	[sflag:s3] =	ssyncadd.s32 $0xFFFFF000  }
0x70: {  	[spmem:s20] =	stream.linear.scatter [tilespmem:s11], [sflag:$0x4], $0x1000, $0x38;
	[tilespmem:$0x1FD80] =	vst v63  }
0x71: {  	_ =	swait.ge [sflag:s3], $0x1000  }
0x72: {  	[sflag:s3] =	ssyncset.done $0x0  }
0x73: {  	s21 =	rddreg [dreg:$0xb];
	[sflag:s3] =	ssyncadd.s32 $0xFFFFF000  }
0x74: {  	[spmem:s21] =	stream.linear.scatter [tilespmem:s11], [sflag:$0x4], $0x1000, $0x38;
	[tilespmem:$0x1FD80] =	vst v63  }
0x75: {  	_ =	swait.ge [sflag:s3], $0x1000  }
0x76: {  	[sflag:s3] =	ssyncset.done $0x0  }
0x77: {  	s22 =	rddreg [dreg:$0xc];
	[sflag:s3] =	ssyncadd.s32 $0xFFFFF000  }
0x78: {  	[spmem:s22] =	stream.linear.scatter [tilespmem:s11], [sflag:$0x4], $0x1000, $0x38;
	[tilespmem:$0x1FD80] =	vst v63  }
0x79: {  	_ =	swait.ge [sflag:s3], $0x1000  }
0x7a: {  	[sflag:s3] =	ssyncset.done $0x0  }
0x7b: {  	s23 =	rddreg [dreg:$0xd];
	[sflag:s3] =	ssyncadd.s32 $0xFFFFF000  }
0x7c: {  	[spmem:s23] =	stream.linear.scatter [tilespmem:s11], [sflag:$0x4], $0x1000, $0x38;
	[tilespmem:$0x1FD80] =	vst v63  }
0x7d: {  	_ =	swait.ge [sflag:s3], $0x1000  }
0x7e: {  	[sflag:s3] =	ssyncset.done $0x0  }
0x7f: {  	s20 =	rddreg [dreg:$0xe];
	[sflag:s3] =	ssyncadd.s32 $0xFFFFF000  }
0x80: {  	[spmem:s20] =	stream.linear.scatter [tilespmem:s11], [sflag:$0x4], $0x1000, $0x38;
	[tilespmem:$0x1FD80] =	vst v63  }
0x81: {  	_ =	swait.ge [sflag:s3], $0x1000  }
0x82: {  	[sflag:s3] =	ssyncset.done $0x0  }
0x83: {  	s21 =	rddreg [dreg:$0xf];
	[sflag:s3] =	ssyncadd.s32 $0xFFFFF000  }
0x84: {  	[spmem:s21] =	stream.linear.scatter [tilespmem:s11], [sflag:$0x4], $0x1000, $0x38;
	[tilespmem:$0x1FD80] =	vst v63  }
0x85: {  	_ =	swait.ge [sflag:s3], $0x1000  }
0x86: {  	[sflag:s3] =	ssyncset.done $0x0  }
0x87: {  	s22 =	rddreg [dreg:$0x10];
	[sflag:s3] =	ssyncadd.s32 $0xFFFFF000  }
0x88: {  	[spmem:s22] =	stream.linear.scatter [tilespmem:s11], [sflag:$0x4], $0x1000, $0x38;
	[tilespmem:$0x1FD80] =	vst v63  }
0x89: {  	_ =	swait.ge [sflag:s3], $0x1000  }
0x8a: {  	[sflag:s3] =	ssyncset.done $0x0  }
0x8b: {  	s23 =	rddreg [dreg:$0x11];
	[sflag:s3] =	ssyncadd.s32 $0xFFFFF000  }
0x8c: {  	[spmem:s23] =	stream.linear.scatter [tilespmem:s11], [sflag:$0x4], $0x1000, $0x38;
	[tilespmem:$0x1FD80] =	vst v63  }
0x8d: {  	_ =	swait.ge [sflag:s3], $0x1000  }
0x8e: {  	[sflag:s3] =	ssyncset.done $0x0  }
0x8f: {  	s20 =	rddreg [dreg:$0x12];
	[sflag:s3] =	ssyncadd.s32 $0xFFFFF000  }
0x90: {  	[spmem:s20] =	stream.linear.scatter [tilespmem:s11], [sflag:$0x4], $0x1000, $0x38;
	[tilespmem:$0x1FD80] =	vst v63  }
0x91: {  	_ =	swait.ge [sflag:s3], $0x1000  }
0x92: {  	[sflag:s3] =	ssyncset.done $0x0  }
0x93: {  	s21 =	rddreg [dreg:$0x13];
	[sflag:s3] =	ssyncadd.s32 $0xFFFFF000  }
0x94: {  	[spmem:s21] =	stream.linear.scatter [tilespmem:s11], [sflag:$0x4], $0x1000, $0x38;
	[tilespmem:$0x1FD80] =	vst v63  }
0x95: {  	_ =	swait.ge [sflag:s3], $0x1000  }
0x96: {  	[sflag:s3] =	ssyncset.done $0x0  }
0x97: {  	[sflag:s3] =	ssyncadd.s32 $0xFFFFF000  }
0x98: {  	[spmem:s24] =	stream.linear.scatter [tilespmem:s11], [sflag:$0x4], $0x1000, $0x38;
	[tilespmem:$0x1FD80] =	vst v63  }
0x99: {  	_ =	swait.ge [sflag:s3], $0x1000  }
0x9a: {  	[sflag:s3] =	ssyncset.done $0x0  }
0x9b: {  	[sflag:s3] =	ssyncadd.s32 $0xFFFFF000  }
0x9c: {  	[spmem:s25] =	stream.linear.scatter [tilespmem:s11], [sflag:$0x4], $0x1000, $0x38;
	[tilespmem:$0x1FD80] =	vst v63  }
0x9d: {  	_ =	swait.ge [sflag:s3], $0x1000  }
0x9e: {  	[sflag:s3] =	ssyncset.done $0x0  }
0x9f: {  	[sflag:s3] =	ssyncadd.s32 $0xFFFFF000  }
0xa0: {  	[spmem:s26] =	stream.linear.scatter [tilespmem:s11], [sflag:$0x4], $0x1000, $0x38;
	[tilespmem:$0x1FD80] =	vst v63  }
0xa1: {  	_ =	swait.ge [sflag:s3], $0x1000  }
0xa2: {  	[sflag:s3] =	ssyncset.done $0x0  }
0xa3: {  	[sflag:s3] =	ssyncadd.s32 $0xFFFFF000  }
0xa4: {  	[spmem:s28] =	stream.linear.scatter [tilespmem:s11], [sflag:$0x4], $0x1000, $0x38;
	[tilespmem:$0x1FD80] =	vst v63  }
0xa5: {  	_ =	swait.ge [sflag:s3], $0x1000  }
0xa6: {  	[sflag:s3] =	ssyncset.done $0x0  }
0xa7: {  	[sflag:s3] =	ssyncadd.s32 $0xFFFFF000  }
0xa8: {  	[spmem:s29] =	stream.linear.scatter [tilespmem:s11], [sflag:$0x4], $0x1000, $0x38;
	[tilespmem:$0x1FD80] =	vst v63  }
0xa9: {  	_ =	swait.ge [sflag:s3], $0x1000  }
0xaa: {  	[sflag:s3] =	ssyncset.done $0x0  }
0xab: {  	[sflag:s3] =	ssyncadd.s32 $0xFFFFF000  }
0xac: {  	[spmem:s30] =	stream.linear.scatter [tilespmem:s11], [sflag:$0x4], $0x1000, $0x38;
	[tilespmem:$0x1FD80] =	vst v63  }
0xad: {  	_ =	swait.ge [sflag:s3], $0x1000  }
0xae: {  	[sflag:s3] =	ssyncset.done $0x0  }
0xaf: {  	[sflag:s3] =	ssyncadd.s32 $0xFFFFF000  }
0xb0: {  	[spmem:s31] =	stream.linear.scatter [tilespmem:s11], [sflag:$0x4], $0x1000, $0x38;
	[tilespmem:$0x1FD80] =	vst v63  }
0xb1: {  	_ =	swait.ge [sflag:s3], $0x1000  }
0xb2: {  	[sflag:s3] =	ssyncset.done $0x0  }
0xb3: {  	[sflag:s3] =	ssyncadd.s32 $0xFFFFF000  }
0xb4: {  	[spmem:s0] =	stream.linear.scatter [tilespmem:s11], [sflag:$0x4], $0x1000, $0x38;
	[tilespmem:$0x1FD80] =	vst v63  }
0xb5: {  	_ =	swait.ge [sflag:s3], $0x1000  }
0xb6: {  	[sflag:s3] =	ssyncset.done $0x0  }
0xb7: {  	s22 =	simm.s32 $0xB880;
	[sflag:s3] =	ssyncadd.s32 $0xFFFFF000  }
0xb8: {  	[spmem:s8] =	stream.linear.scatter [tilespmem:s22], [sflag:$0x4], $0x280, $0x38;
	[tilespmem:$0x1FD80] =	vst v63  }
0xb9: {  	_ =	swait.ge [sflag:s3], $0x280  }
0xba: {  	[sflag:s3] =	ssyncset.done $0x0  }
0xbb: {  	s23 =	sand.u32 $0x1, s17;
	[sflag:s3] =	ssyncadd.s32 $0xFFFFFD80  }
0xbc: {  	s20 =	sadd.s32 $0x1, s23;
	[bflag:$0x0] =	sbarrier.arrive $0xFFFF  }
0xbd: {  	_ =	swait.ge [sflag:s20], $0x4000  }
0xbe: {  	[sflag:s20] =	ssyncset.done $0x0  }
0xbf: {  	s19 =	sshll.u32 s23, $0xE;
	[sflag:s20] =	ssyncadd.s32 $0xFFFFC000  }
0xc0: {  	[spmem:s2] =	stream.indirect.scatter.add.f32 [tilespmem:s13], [sflag:$0x3], $0x1, s18, s12, $0xb8;
	[tilespmem:$0x1FD80] =	vst v63  }
0xc1: {  	s19 =	sor.u32 $0x2800, s19  }
0xc2: {  	[spmem:s1] =	stream.indirect.scatter.add.f32 [tilespmem:s19], [sflag:$0x4], $0x80, s18, s12, $0xb8;
	[tilespmem:$0x1FD80] =	vst v63  }
0xc3: {  	s17 =	smin.u32 s17, $0x25;
	_ =	swait.ge [sflag:s3], $0x4000  }
0xc4: {  	s17 =	sshll.u32 s17, $0x8;
	[sflag:s3] =	ssyncset.done $0x0  }
0xc5: {  	s17 =	sadd.s32 $0x200, s17;
	[sflag:s3] =	ssyncadd.s32 $0xFFFFC000  }
0xc6: {  	[tilespmem:s19], [sflag:s20] =	stream.indirect.gather [hbm4b:s5+s12], $0x80, s17, s12, $0xb8;
	[tilespmem:$0x1FD80] =	vst v63  }
0xc7: {  	s18 =	simm.s32 $0x180;
	s17 =	simm.s32 $0x1;
	_ =	swait.ge [sflag:s14], $0x80  }
0xc8: {  	s20 =	simm.s32 $0x2;
	s19 =	sand.u32 $0x1, s17;
	[sflag:s14] =	ssyncset.done $0x0  }
.LBB2_4:
0xc9: {  	s21 =	sadd.s32 $0x1, s19  }
0xca: {  	[sflag:s14] =	ssyncadd.s32 $0xFFFFFF80;
	s22 =	smov.u32 s20;
	s23 =	sadd.s32 $0x1, s20  }
0xcb: {  	p0 =	sne.s32 s20, $0x27;
	_ =	swait.ge [sflag:s21], $0x4000  }
0xcc: {  	[sflag:s21] =	ssyncset.done $0x0  }
0xcd: {  	s19 =	sshll.u32 s19, $0xE;
	[sflag:s21] =	ssyncadd.s32 $0xFFFFC000  }
0xce: {  	[spmem:s2] =	stream.indirect.scatter.add.f32 [tilespmem:s13], [sflag:$0x3], $0x1, s18, s12, $0xb8;
	[tilespmem:$0x1FD80] =	vst v63  }
0xcf: {  	s19 =	sor.u32 $0x2800, s19  }
0xd0: {  	[spmem:s1] =	stream.indirect.scatter.add.f32 [tilespmem:s19], [sflag:$0x4], $0x80, s18, s12, $0xb8;
	[tilespmem:$0x1FD80] =	vst v63  }
0xd1: {  	s20 =	smin.u32 s17, $0x25;
	s17 =	smov.u32 s22;
	_ =	swait.ge [sflag:s3], $0x4000  }
.Ltmp1:
0xd2: {  	s20 =	sshll.u32 s20, $0x8;
	[sflag:s3] =	ssyncset.done $0x0;
	(pc) =	sbr.rel @p0 .LBB2_4-.Ltmp1, $4  }
0xd3: {  	s20 =	sadd.s32 $0x200, s20;
	[sflag:s3] =	ssyncadd.s32 $0xFFFFC000  }
0xd4: {  	[tilespmem:s19], [sflag:s21] =	stream.indirect.gather [hbm4b:s5+s12], $0x80, s20, s12, $0xb8;
	[tilespmem:$0x1FD80] =	vst v63  }
0xd5: {  	s18 =	sadd.s32 $0x100, s18;
	_ =	swait.ge [sflag:s14], $0x80  }
0xd6: {  	s19 =	sand.u32 $0x1, s17;
	s20 =	smov.u32 s23;
	[sflag:s14] =	ssyncset.done $0x0  }
0xd7: {  	s20 =	sadd.s32 $0x1, s19;
	[sflag:s14] =	ssyncadd.s32 $0xFFFFFF80  }
0xd8: {  	_ =	swait.ge [sflag:s20], $0x4000  }
0xd9: {  	[sflag:s20] =	ssyncset.done $0x0  }
0xda: {  	s23 =	sshll.u32 s19, $0xE;
	[sflag:s20] =	ssyncadd.s32 $0xFFFFC000  }
0xdb: {  	[spmem:s2] =	stream.indirect.scatter.add.f32 [tilespmem:s13], [sflag:$0x3], $0x1, s18, s12, $0xb8;
	[tilespmem:$0x1FD80] =	vst v63  }
0xdc: {  	s19 =	sor.u32 $0x2800, s23  }
0xdd: {  	[spmem:s1] =	stream.indirect.scatter.add.f32 [tilespmem:s19], [sflag:$0x4], $0x80, s18, s12, $0xb8;
	[tilespmem:$0x1FD80] =	vst v63  }
0xde: {  	s17 =	smin.u32 s17, $0x25;
	_ =	swait.ge [sflag:s3], $0x4000  }
0xdf: {  	s17 =	sshll.u32 s17, $0x8;
	[sflag:s3] =	ssyncset.done $0x0  }
0xe0: {  	s17 =	sadd.s32 $0x200, s17;
	[sflag:s3] =	ssyncadd.s32 $0xFFFFC000  }
0xe1: {  	[tilespmem:s19], [sflag:s20] =	stream.indirect.gather [hbm4b:s5+s12], $0x80, s17, s12, $0xb8;
	[tilespmem:$0x1FD80] =	vst v63  }
0xe2: {  	_ =	swait.ge [sflag:s14], $0x80  }
0xe3: {  	[sflag:s14] =	ssyncset.done $0x0  }
0xe4: {  	[sflag:s14] =	ssyncadd.s32 $0xFFFFFF80  }
0xe5: {  	_ =	swait.ge [sflag:s15], $0x4000  }
0xe6: {  	[sflag:s15] =	ssyncset.done $0x0  }
0xe7: {  	[sflag:s15] =	ssyncadd.s32 $0xFFFFC000  }
0xe8: {  	_ =	swait.ge [sflag:s16], $0x4000  }
0xe9: {  	[sflag:s16] =	ssyncset.done $0x0  }
0xea: {  	s17 =	simm.s32 $0x0;
	s20 =	rddreg [dreg:$0x5];
	[sflag:s16] =	ssyncadd.s32 $0xFFFFC000  }
0xeb: {  	[tilespmem:s17], [sflag:$0x4] =	stream.linear.gather [hbm4b:s20+s17], $0x2800, $0x38;
	[tilespmem:$0x1FD80] =	vst v63  }
0xec: {  	_ =	swait.ge [sflag:s3], $0x2800  }
0xed: {  	[sflag:s3] =	ssyncset.done $0x0  }
0xee: {  	s21 =	simm.s32 $0x80;
	s22 =	sand.u32 $0x1, s17;
	[sflag:s3] =	ssyncadd.s32 $0xFFFFD800  }
0xef: {  	[tilespmem:s6], [sflag:$0x1] =	stream.indirect.gather [hbm4b:s5+s21], $0x80, s17, s21, $0xb8;
	[tilespmem:$0x1FD80] =	vst v63  }
0xf0: {  	s23 =	sadd.s32 $0x1, s22  }
0xf1: {  	[tilespmem:s10], [sflag:$0x2] =	stream.indirect.gather [hbm4b:s5+s21], $0x80, s9, s21, $0xb8;
	[tilespmem:$0x1FD80] =	vst v63  }
0xf2: {  	_ =	swait.ge [sflag:s23], $0x4000  }
0xf3: {  	[sflag:s23] =	ssyncset.done $0x0  }
0xf4: {  	s19 =	sshll.u32 s22, $0xE;
	[sflag:s23] =	ssyncadd.s32 $0xFFFFC000  }
0xf5: {  	[spmem:s2] =	stream.indirect.scatter.add.f32 [tilespmem:s13], [sflag:$0x3], $0x1, s21, s12, $0xb8;
	[tilespmem:$0x1FD80] =	vst v63  }
0xf6: {  	s19 =	sor.u32 $0x2800, s19  }
0xf7: {  	[spmem:s1] =	stream.indirect.scatter.add.f32 [tilespmem:s19], [sflag:$0x4], $0x80, s21, s12, $0xb8;
	[tilespmem:$0x1FD80] =	vst v63  }
0xf8: {  	s17 =	smin.u32 s17, $0x25;
	_ =	swait.ge [sflag:s3], $0x4000  }
0xf9: {  	s17 =	sshll.u32 s17, $0x8;
	[sflag:s3] =	ssyncset.done $0x0  }
0xfa: {  	s17 =	sadd.s32 $0x200, s17;
	[sflag:s3] =	ssyncadd.s32 $0xFFFFC000  }
0xfb: {  	[tilespmem:s19], [sflag:s23] =	stream.indirect.gather [hbm4b:s5+s12], $0x80, s17, s12, $0xb8;
	[tilespmem:$0x1FD80] =	vst v63  }
0xfc: {  	s18 =	simm.s32 $0x180;
	s17 =	simm.s32 $0x1;
	_ =	swait.ge [sflag:s14], $0x80  }
0xfd: {  	s20 =	simm.s32 $0x2;
	s19 =	sand.u32 $0x1, s17;
	[sflag:s14] =	ssyncset.done $0x0  }
.LBB2_6:
0xfe: {  	s21 =	sadd.s32 $0x1, s19  }
0xff: {  	[sflag:s14] =	ssyncadd.s32 $0xFFFFFF80;
	s22 =	smov.u32 s20;
	s23 =	sadd.s32 $0x1, s20  }
0x100: {  	p0 =	sne.s32 s20, $0x27;
	_ =	swait.ge [sflag:s21], $0x4000  }
0x101: {  	[sflag:s21] =	ssyncset.done $0x0  }
0x102: {  	s19 =	sshll.u32 s19, $0xE;
	[sflag:s21] =	ssyncadd.s32 $0xFFFFC000  }
0x103: {  	[spmem:s2] =	stream.indirect.scatter.add.f32 [tilespmem:s13], [sflag:$0x3], $0x1, s18, s12, $0xb8;
	[tilespmem:$0x1FD80] =	vst v63  }
0x104: {  	s19 =	sor.u32 $0x2800, s19  }
0x105: {  	[spmem:s1] =	stream.indirect.scatter.add.f32 [tilespmem:s19], [sflag:$0x4], $0x80, s18, s12, $0xb8;
	[tilespmem:$0x1FD80] =	vst v63  }
0x106: {  	s20 =	smin.u32 s17, $0x25;
	s17 =	smov.u32 s22;
	_ =	swait.ge [sflag:s3], $0x4000  }
.Ltmp2:
0x107: {  	s20 =	sshll.u32 s20, $0x8;
	[sflag:s3] =	ssyncset.done $0x0;
	(pc) =	sbr.rel @p0 .LBB2_6-.Ltmp2, $4  }
0x108: {  	s20 =	sadd.s32 $0x200, s20;
	[sflag:s3] =	ssyncadd.s32 $0xFFFFC000  }
0x109: {  	[tilespmem:s19], [sflag:s21] =	stream.indirect.gather [hbm4b:s5+s12], $0x80, s20, s12, $0xb8;
	[tilespmem:$0x1FD80] =	vst v63  }
0x10a: {  	s18 =	sadd.s32 $0x100, s18;
	_ =	swait.ge [sflag:s14], $0x80  }
0x10b: {  	s19 =	sand.u32 $0x1, s17;
	s20 =	smov.u32 s23;
	[sflag:s14] =	ssyncset.done $0x0  }
0x10c: {  	s20 =	sadd.s32 $0x1, s19;
	[sflag:s14] =	ssyncadd.s32 $0xFFFFFF80  }
0x10d: {  	_ =	swait.ge [sflag:s20], $0x4000  }
0x10e: {  	[sflag:s20] =	ssyncset.done $0x0  }
0x10f: {  	s23 =	sshll.u32 s19, $0xE;
	[sflag:s20] =	ssyncadd.s32 $0xFFFFC000  }
0x110: {  	[spmem:s2] =	stream.indirect.scatter.add.f32 [tilespmem:s13], [sflag:$0x3], $0x1, s18, s12, $0xb8;
	[tilespmem:$0x1FD80] =	vst v63  }
0x111: {  	s19 =	sor.u32 $0x2800, s23  }
0x112: {  	[spmem:s1] =	stream.indirect.scatter.add.f32 [tilespmem:s19], [sflag:$0x4], $0x80, s18, s12, $0xb8;
	[tilespmem:$0x1FD80] =	vst v63  }
0x113: {  	s17 =	smin.u32 s17, $0x25;
	_ =	swait.ge [sflag:s3], $0x4000  }
0x114: {  	s17 =	sshll.u32 s17, $0x8;
	[sflag:s3] =	ssyncset.done $0x0  }
0x115: {  	s17 =	sadd.s32 $0x200, s17;
	[sflag:s3] =	ssyncadd.s32 $0xFFFFC000  }
0x116: {  	[tilespmem:s19], [sflag:s20] =	stream.indirect.gather [hbm4b:s5+s12], $0x80, s17, s12, $0xb8;
	[tilespmem:$0x1FD80] =	vst v63  }
0x117: {  	_ =	swait.ge [sflag:s14], $0x80  }
0x118: {  	[sflag:s14] =	ssyncset.done $0x0  }
0x119: {  	[sflag:s14] =	ssyncadd.s32 $0xFFFFFF80  }
0x11a: {  	_ =	swait.ge [sflag:s15], $0x4000  }
0x11b: {  	[sflag:s15] =	ssyncset.done $0x0  }
0x11c: {  	[sflag:s15] =	ssyncadd.s32 $0xFFFFC000  }
0x11d: {  	_ =	swait.ge [sflag:s16], $0x4000  }
0x11e: {  	[sflag:s16] =	ssyncset.done $0x0  }
0x11f: {  	s21 =	stileid.u32;
	[sflag:s16] =	ssyncadd.s32 $0xFFFFC000  }
0x120: {  	s17 =	sshll.u32 s21, $0x6;
	[bflag:$0x0] =	sbarrier.arrive $0xFFFF  }
0x121: {  	s22 =	sshrl.u32 s7, $0x3;
	s17 =	sor.u32 $0x1C04, s17;
	s23 =	rddreg [dreg:$0x6]  }
0x122: {  	[hbm:s23], [sflag:s17] =	dma.local [spmem:s22], $0x2800  }
0x123: {  	_ =	swait.ge [sflag:s3], $0x2800  }
0x124: {  	s19 =	sshrl.u32 s8, $0x3;
	s21 =	simm.s32 $0x10;
	[sflag:s3] =	ssyncset.done $0x0  }
0x125: {  	s22 =	simm.s32 $0x20;
	s20 =	rddreg [dreg:$0x7];
	[sflag:s3] =	ssyncadd.s32 $0xFFFFD800  }
0x126: {  	[hbm:s20@s22], [sflag:s17] =	dma.strided [spmem:s19@s21], $0x50, s15, $0x10   }
0x127: {  	_ =	swait.ge [sflag:s3], $0x50  }
0x128: {  	s4 =	sadd.s32 $0x1, s4;
	s23 =	rddreg [dreg:$0x8]  }
0x129: {  	p0 =	sne.s32 s4, s23  }
.Ltmp3:
0x12a: {  	_ = 	snop;
	(pc) =	sbr.rel @p0 .LBB2_1-.Ltmp3, $3  }
0x12b: {  	_ =	sdelay $0x1  }
0x12c: {  	[sflag:s3] =	ssyncset.done $0x0  }
0x12d: {  	[sflag:s3] =	ssyncadd.s32 $0xFFFFFFB0  }
0x12e: {  	_ =	sfence.sel $0x180000  }
0x12f: {  	[bflag:$0x0] =	sbarrier.arrive $0xFFFF  }
0x130: {  	_ =	strace $0x9000004A  }
0x131: {  	s0 =	stileid.u32;
	[bflag:$0x2] =	sbarrier.arrive $0xFFFF  }
0x132: {  	p0 =	sne.s32 s0, $0x0;
	s0 =	rddreg [dreg:$0x3]  }
0x133: {  	s0 =	sadd.s32 @!p0 $0x100000, s0  }
0x134: {  	[sflag:s0] =	ssyncadd.tile.s32 @!p0 $0x1;
	_ =	shalt  }
.Lfunc_end2:
_tile_overlayer_lowered:
.L_overlay_start_2:
0x135: {  	(tag) =	ssettag $0x2  }
0x136: {  	s0 =	rddreg [dreg:$0x0];
	s2 =	stileid.u32  }
0x137: {  	s1 =	rddreg [dreg:$0x1];
	p0 =	sne.s32 s2, $0x0  }
0x138: {  	s3 =	rddreg [dreg:$0x2];
	[bflag:$0x3] =	sbarrier.arrive $0xFFFF;
	s2 =	simm.s32 @!p0 $0x1C04  }
0x139: {  	[timem:s3], [sflag:s2] =	dma.local @!p0 [hbm:s0], s1  }
0x13a: {  	s0 =	simm.s32 @!p0 $0x4  }
0x13b: {  	_ =	swait.ge @!p0 [sflag:s0], s1  }
0x13c: {  	s1 =	ssub.s32 @!p0 $0x0, s1;
	[sflag:s0] =	ssyncset.done @!p0 $0x0  }
0x13d: {  	[sflag:s0] =	ssyncadd.s32 @!p0 s1  }
0x13e: {  	[bflag:$0x3] =	sbarrier.arrive $0xFFFF  }
0x13f: {  	_ =	shalt  }

// kernel: kernel.7.cloned.1.call-start
scs
__scs_entry_jumppad:
0x0: {  	(pc) =	sbr.rel $0x88, $3  }
0x1: {  	(tag) =	ssettag $0x0;
	lr =	simm.s32 $0x1  }
0x2: {  	[smem:$0x3F90] =	sst lr;
	_ =	strace $0xD0000000  }
0x3: {  	_ = 	snop  }
0x4: {  	_ = 	snop  }
0x5: {  	_ = 	snop  }
0x6: {  	_ = 	snop  }
0x7: {  	_ = 	snop  }
__scs_overlays_trampoline_lowered:
0x8: {  	[smem:$0x3F9F] =	sst s0  }
0x9: {  	[smem:$0x3FA0] =	sst s1  }
0xa: {  	[smem:$0x3FA1] =	sst s2  }
0xb: {  	[smem:$0x3FA2] =	sst s3  }
0xc: {  	[smem:$0x3FA3] =	sst s4  }
0xd: {  	[smem:$0x3FA4] =	sst s5  }
0xe: {  	[smem:$0x3FA5] =	sst s6  }
0xf: {  	[smem:$0x3FA6] =	sst s7  }
0x10: {  	[smem:$0x3FA7] =	sst s8  }
0x11: {  	[smem:$0x3FA8] =	sst s9;
	s0 =	simm.s32 @!p0 $0x0  }
0x12: {  	s1 =	sld [smem:$0x3F8E];
	s0 =	simm.s32 @p0 $0x1  }
0x13: {  	[smem:$0x3FA9] =	sst s0;
	s0 =	simm.s32 @!p1 $0x0  }
0x14: {  	s2 =	sld [smem:$0x3F8D];
	s0 =	simm.s32 @p1 $0x1  }
0x15: {  	[smem:$0x3FAA] =	sst s0;
	s0 =	simm.s32 @!p2 $0x0  }
0x16: {  	s3 =	sld [smem:$0x3FDB];
	s0 =	simm.s32 @p2 $0x1  }
0x17: {  	s4 =	simm.s32 $0x1BF5;
	[smem:$0x3FAC] =	sst s0  }
0x18: {  	s0 =	sld [smem:$0x3F8F];
	_ =	swait.ge [sflag:s4], $0x0  }
0x19: {  	s7 =	sld [smem:$0x3F90]  }
0x1a: {  	s8 =	sadd.s32 $0xFFFFE003, lr  }
0x1b: {  	s9 =	sadd.s32 $0xFFFFFEF7, lr;
	s5 =	simm.s32 $0xFFFFFFFF;
	p2 =	slt.u32 s8, $0xFFFFF086  }
0x1c: {  	p1 =	slt.u32 s9, $0xF7A;
	s5 =	simm.s32 @!p2 $0x0  }
0x1d: {  	s5 =	simm.s32 @p1 $0x1;
	p0 =	seq.s32 s7, s2  }
0x1e: {  	s7 =	smul.u32 @!p0 $0xF7A, s2;
	p2 =	seq.s32 @!p0 s5, $0x0  }
0x1f: {  	s9 =	smul.u32 $0xF7A, s1;
	s8 =	simm.s32 @!p0 $0x1BF5;
	p2 =	por !p2, p0  }
0x20: {  	[sflag:s8] =	ssyncset.s32 @!p0 $0xFFFFF086;
	s6 =	sadd.s32 @!p0 s3, s7;
	s7 =	simm.s32 @!p0 $0x108  }
0x21: {  	s3 =	sadd.s32 s3, s9;
	s6 =	sadd.s32 @!p0 $0x88, s6;
	s7 =	simm.s32 @p2 $0x1082  }
0x22: {  	[simem:s7], [sflag:s8] =	dma.local @!p0 [hbm:s6], $0xF7A  }
0x23: {  	s9 =	sor.u32 $0xD0000000, s2;
	s6 =	simm.s32 $0x108;
	_ =	swait.ge @!p0 [sflag:s8], $0x0  }
0x24: {  	s3 =	sadd.s32 $0x88, s3;
	s6 =	simm.s32 @!p1 $0x1082;
	[sflag:s4] =	ssyncset.s32 $0xFFFFF086  }
0x25: {  	[simem:s6], [sflag:s4] =	dma.local [hbm:s3], $0xF7A  }
0x26: {  	[smem:$0x3F90] =	sst s1;
	(tag) =	ssettag s2;
	_ =	strace s9  }
0x27: {  	s1 =	sld [smem:$0x3FA0]  }
0x28: {  	s2 =	sld [smem:$0x3FA1]  }
0x29: {  	s4 =	sld [smem:$0x3FA3]  }
0x2a: {  	p0 =	seq.s32 s5, $0x0;
	s5 =	sld [smem:$0x3FA4]  }
0x2b: {  	s6 =	sld [smem:$0x3FA5]  }
0x2c: {  	s7 =	sld [smem:$0x3FA6]  }
0x2d: {  	s3 =	simm.s32 $0x108;
	s8 =	sld [smem:$0x3FA7]  }
0x2e: {  	s3 =	simm.s32 @!p0 $0x1082;
	s9 =	sld [smem:$0x3FA8]  }
0x2f: {  	lr =	sadd.s32 s0, s3;
	s0 =	sld [smem:$0x3F9F]  }
0x30: {  	s3 =	sld [smem:$0x3FA2]  }
0x31: {  	[smem:$0x3FAB] =	sst s10  }
0x32: {  	s10 =	sld [smem:$0x3FA9];
	_ =	sdelay $0x3  }
0x33: {  	p0 =	seq.s32 s10, $0x1;
	s10 =	sld [smem:$0x3FAB];
	_ =	sdelay $0x3  }
0x34: {  	[smem:$0x3FAB] =	sst s10  }
0x35: {  	s10 =	sld [smem:$0x3FAA];
	_ =	sdelay $0x3  }
0x36: {  	p1 =	seq.s32 s10, $0x1;
	s10 =	sld [smem:$0x3FAB];
	_ =	sdelay $0x3  }
0x37: {  	[smem:$0x3FAB] =	sst s10  }
0x38: {  	s10 =	sld [smem:$0x3FAC]  }
0x39: {  	_ = 	snop;
	(pc) =	sbr.ind lr, $3  }
0x3a: {  	_ = 	snop  }
0x3b: {  	_ = 	snop  }
0x3c: {  	p2 =	seq.s32 s10, $0x1;
	s10 =	sld [smem:$0x3FAB]  }
0x3d: {  	_ =	shalt  }
0x3e: {  	_ =	shalt  }
0x3f: {  	_ =	shalt  }
0x40: {  	_ =	shalt  }
0x41: {  	_ =	shalt  }
0x42: {  	_ =	shalt  }
0x43: {  	_ =	shalt  }
0x44: {  	_ =	shalt  }
0x45: {  	_ =	shalt  }
0x46: {  	_ =	shalt  }
0x47: {  	_ =	shalt  }
0x48: {  	_ =	shalt  }
0x49: {  	_ =	shalt  }
0x4a: {  	_ =	shalt  }
0x4b: {  	_ =	shalt  }
0x4c: {  	_ =	shalt  }
0x4d: {  	_ =	shalt  }
0x4e: {  	_ =	shalt  }
0x4f: {  	_ =	shalt  }
0x50: {  	_ =	shalt  }
0x51: {  	_ =	shalt  }
0x52: {  	_ =	shalt  }
0x53: {  	_ =	shalt  }
0x54: {  	_ =	shalt  }
0x55: {  	_ =	shalt  }
0x56: {  	_ =	shalt  }
0x57: {  	_ =	shalt  }
0x58: {  	_ =	shalt  }
0x59: {  	_ =	shalt  }
0x5a: {  	_ =	shalt  }
0x5b: {  	_ =	shalt  }
0x5c: {  	_ =	shalt  }
0x5d: {  	_ =	shalt  }
0x5e: {  	_ =	shalt  }
0x5f: {  	_ =	shalt  }
0x60: {  	_ =	shalt  }
0x61: {  	_ =	shalt  }
0x62: {  	_ =	shalt  }
0x63: {  	_ =	shalt  }
0x64: {  	_ =	shalt  }
0x65: {  	_ =	shalt  }
0x66: {  	_ =	shalt  }
0x67: {  	_ =	shalt  }
0x68: {  	_ =	shalt  }
0x69: {  	_ =	shalt  }
0x6a: {  	_ =	shalt  }
0x6b: {  	_ =	shalt  }
0x6c: {  	_ =	shalt  }
0x6d: {  	_ =	shalt  }
0x6e: {  	_ =	shalt  }
0x6f: {  	_ =	shalt  }
0x70: {  	_ =	shalt  }
0x71: {  	_ =	shalt  }
0x72: {  	_ =	shalt  }
0x73: {  	_ =	shalt  }
0x74: {  	_ =	shalt  }
0x75: {  	_ =	shalt  }
0x76: {  	_ =	shalt  }
0x77: {  	_ =	shalt  }
0x78: {  	_ =	shalt  }
0x79: {  	_ =	shalt  }
0x7a: {  	_ =	shalt  }
0x7b: {  	_ =	shalt  }
0x7c: {  	_ =	shalt  }
0x7d: {  	_ =	shalt  }
0x7e: {  	_ =	shalt  }
0x7f: {  	_ =	shalt  }
0x80: {  	_ =	shalt  }
0x81: {  	_ =	shalt  }
0x82: {  	_ =	shalt  }
0x83: {  	_ =	shalt  }
0x84: {  	_ =	shalt  }
0x85: {  	_ =	shalt  }
0x86: {  	_ =	shalt  }
0x87: {  	_ =	shalt  }
.Lfunc_end0:
.L_simem_size_0:
called_computation_lowered:
.L_overlay_start_0:
0x88: {  	s2 =	sld [smem:$0x3FD9]  }
0x89: {  	s3 =	sld [smem:$0x3FFE];
	_ =	sdelay $0x1  }
0x8a: {  	s1 =	srdreg.scid  }
0x8b: {  	s0 =	sand.u32 $0x1, s1  }
0x8c: {  	s16 =	sshll.u32 s0, $0xA;
	s2 =	sadd.s32 s3, s2  }
0x8d: {  	s2 =	sadd.s32 s2, s16  }
0x8e: {  	[smem:$0x3FB7] =	sst s2  }
0x8f: {  	_ = 	snop  }
0x90: {  	(tm) =	ssettm $0x1  }
0x91: {  	s17 =	sld [smem:$0x3FFB];
	_ =	sdelay $0x3  }
0x92: {  	_ =	strace s17  }
0x93: {  	s2 =	sld [smem:$0x3FFC];
	_ =	sdelay $0x3  }
0x94: {  	_ =	strace s2  }
0x95: {  	s2 =	sld [smem:$0x3FFD];
	_ =	sdelay $0x3  }
0x96: {  	_ =	strace s2  }
0x97: {  	_ =	strace $0x8FFFFFFF  }
0x98: {  	s18 =	sld [smem:$0x3FDB];
	_ =	sdelay $0x1  }
0x99: {  	s19 =	simm.s32 $_scs_section_size  }
0x9a: {  	s4 =	simm.s32 $_size__tile_overlayer_lowered;
	s5 =	simm.s32 $_tile_overlayer_lowered  }
0x9b: {  	s22 =	simm.s32 $0x1BFF;
	s21 =	sshll.u32 s5, $0x1;
	s2 =	sadd.s32 s19, s18  }
0x9c: {  	s6 =	simm.s32 $0x0;
	s20 =	sshll.u32 s4, $0x1;
	s4 =	sadd.s32 s21, s2  }
0x9d: {  	[timem:s6], [sflag:s22] =	dma.local [hbm:s4], s20  }
0x9e: {  	_ =	swait.ge [sflag:s22], s20  }
0x9f: {  	s3 =	ssub.s32 $0x0, s20;
	[sflag:s22] =	ssyncset.done $0x0  }
0xa0: {  	[sflag:s22] =	ssyncadd.s32 s3;
	_ =	sdelay $0x1  }
0xa1: {  	s23 =	simm.s32 $0x1B8B  }
0xa2: {  	_ =	swait.ge [sflag:s23], $0x1  }
0xa3: {  	[sflag:s23] =	ssyncset.done $0x0  }
0xa4: {  	s25 =	simm.s32 $0x1B8E;
	s24 =	sld [smem:$0x3FFE];
	[sflag:s23] =	ssyncadd.s32 $0xFFFFFFFF  }
0xa5: {  	s26 =	simm.s32 $execute0_lowered;
	[smem:$0x3FD2] =	sst s25  }
0xa6: {  	s4 =	sshll.u32 s26, $0x1;
	_ =	strace $0x80000046;
	[dreg:$0x1] =	wrdreg $0xFFFFFFFF  }
0xa7: {  	s28 =	simm.s32 $_size_execute0_lowered;
	s2 =	sadd.s32 s2, s4;
	[dreg:$0x0] =	wrdreg $0x0  }
0xa8: {  	s4 =	sshll.u32 s28, $0x1;
	[dreg:$0x2] =	wrdreg s2  }
0xa9: {  	[dreg:$0x3] =	wrdreg s4  }
0xaa: {  	[dreg:$0x4] =	wrdreg $0xC0  }
0xab: {  	_ =	task [dreg:s6], $0x5FFFF  }
0xac: {  	[dreg:$0x1] =	wrdreg $0xFFFFFFFF  }
0xad: {  	[dreg:$0x0] =	wrdreg $0x60  }
0xae: {  	[dreg:$0x2] =	wrdreg s24  }
0xaf: {  	[dreg:$0x3] =	wrdreg $0xBB000  }
0xb0: {  	[dreg:$0x4] =	wrdreg $0x1FB000  }
0xb1: {  	[dreg:$0x5] =	wrdreg $0x9  }
0xb2: {  	_ =	task.clear_ibuf [dreg:s6], $0x6FFFF;
	_ =	strace $0x90000046  }
0xb3: {  	s29 =	simm.s32 $0x9;
	_ =	strace $0x80000048  }
0xb4: {  	_ =	swait.ge [sflag:s29], $0x1  }
0xb5: {  	[sflag:s29] =	ssyncadd.s32 $0xFFFFFFFF  }
0xb6: {  	_ =	strace $0x90000048  }
0xb7: {  	_ =	sfence  }
0xb8: {  	s30 =	sld [smem:$0x0];
	_ =	sdelay $0x2  }
0xb9: {  	s31 =	sshll.u32 s1, $0xD;
	s1 =	sshrl.u32 s1, $0x2  }
0xba: {  	s3 =	sand.u32 $0x4000, s31;
	s1 =	sadd.s32 s1, s30  }
0xbb: {  	s0 =	sor.u32 s3, s0;
	s1 =	sshll.u32 s1, $0x11  }
0xbc: {  	s0 =	sor.u32 s1, s0  }
0xbd: {  	s0 =	sadd.s32 $0x8F2B, s0  }
0xbe: {  	[sflag:s0] =	ssyncadd.remote.s32 $0x1  }
0xbf: {  	_ =	sfence.sel $0xFFFF  }
0xc0: {  	[dreg:$0x0] =	wrdreg $0xFFFFFFFF;
	(pc) =	sbr.abs _section_cstart, $3  }
0xc1: {  	[dreg:$0x1] =	wrdreg $0xFFFFFFFF  }
0xc2: {  	_ =	task.clear_ibuf [dreg:s6], $0x2FFFF;
	_ =	strace $0x9FFFFFFF  }
0xc3: {  	(tm) =	ssettm $0x7FFFFFFF  }
tec
execute0_lowered:
.L_overlay_start_1:
0x0: {  	(tag) =	ssettag $0x1  }
0x1: {  	s0 =	rddreg [dreg:$0x0]  }
0x2: {  	s1 =	rddreg [dreg:$0x1];
	s13 =	stileid.u32  }
0x3: {  	s2 =	rddreg [dreg:$0x2];
	s7 =	smul.u32 $0x14000, s13  }
0x4: {  	s3 =	srdreg.scid;
	s4 =	simm.s32 $0x0;
	s24 =	smul.u32 $0x500, s13  }
0x5: {  	s3 =	sand.u32 $0x1, s3;
	[smem:$0x7FF] =	sst s4;
	s12 =	smul.u32 $0x50000, s13  }
0x6: {  	s5 =	sadd.s32 $0x16C00, s0;
	s9 =	sadd.s32 $0x2C00, s0;
	s25 =	smul.u32 $0xA00, s13  }
0x7: {  	s6 =	smul.u32 $0x140000, s3;
	_ =	strace $0x80000047;
	s8 =	sshll.u32 s3, $0x4  }
0x8: {  	s11 =	sshll.u32 s3, $0x7;
	s3 =	ssub.s32 $0x2, s3;
	s8 =	sor.u32 s13, s8  }
0x9: {  	s26 =	sshrl.u32 s3, $0x1;
	s12 =	sshrl.u32 s12, $0x2;
	s13 =	sshrl.u32 s25, $0x2  }
0xa: {  	s6 =	sadd.s32 s7, s6;
	s10 =	smul.u32 $0xA00, s8;
	s7 =	sor.u32 s11, s24  }
0xb: {  	s8 =	smul.u32 $0x5000, s8;
	s3 =	ssub.s32 s3, s26;
	s11 =	simm.s32 $0xA880  }
0xc: {  	s6 =	sshrl.u32 s6, $0x3;
	s7 =	sshrl.u32 s7, $0x3;
	s15 =	smax.u32 s3, $0x1  }
0xd: {  	s3 =	simm.s32 $0x4;
	s6 =	sadd.s32 s6, s0;
	s0 =	sadd.s32 s7, s0  }
0xe: {  	s10 =	sadd.s32 s9, s10;
	s14 =	sshrl.u32 s8, $0x3;
	[dreg:$0x8] =	wrdreg s15  }
0xf: {  	s7 =	sadd.s32 s12, s1;
	[dreg:$0x4] =	wrdreg s10;
	s6 =	sadd.s32 $0x3E800, s6  }
0x10: {  	s8 =	sadd.s32 s13, s2;
	s0 =	sadd.s32 $0x3DE00, s0;
	[dreg:$0x6] =	wrdreg s6  }
0x11: {  	s12 =	simm.s32 $0x80;
	s16 =	sadd.s32 $0x1000, s7;
	[dreg:$0x7] =	wrdreg s0  }
0x12: {  	s13 =	simm.s32 $0xA800;
	s17 =	sadd.s32 $0x2000, s7;
	[dreg:$0x9] =	wrdreg s16  }
0x13: {  	s15 =	simm.s32 $0x1;
	s18 =	sadd.s32 $0x3000, s7;
	[dreg:$0xa] =	wrdreg s17  }
0x14: {  	s9 =	sadd.s32 s9, s14;
	s19 =	sadd.s32 $0x4000, s7;
	[dreg:$0xb] =	wrdreg s18  }
0x15: {  	s20 =	sadd.s32 $0x5000, s7;
	s21 =	sadd.s32 $0x6000, s7;
	[dreg:$0xc] =	wrdreg s19  }
0x16: {  	s22 =	sadd.s32 $0x7000, s7;
	s23 =	sadd.s32 $0x8000, s7;
	[dreg:$0xd] =	wrdreg s20  }
0x17: {  	s24 =	sadd.s32 $0x9000, s7;
	s25 =	sadd.s32 $0xA000, s7;
	[dreg:$0xe] =	wrdreg s21  }
0x18: {  	s26 =	sadd.s32 $0xB000, s7;
	s28 =	sadd.s32 $0xF000, s7;
	[dreg:$0xf] =	wrdreg s22  }
0x19: {  	s29 =	sadd.s32 $0x10000, s7;
	s30 =	sadd.s32 $0x11000, s7;
	[dreg:$0x10] =	wrdreg s23  }
0x1a: {  	s31 =	sadd.s32 $0x12000, s7;
	s10 =	simm.s32 $0x6800;
	[dreg:$0x11] =	wrdreg s24  }
0x1b: {  	s14 =	simm.s32 $0x3;
	s9 =	sadd.s32 $0x500, s9;
	[dreg:$0x12] =	wrdreg s25  }
0x1c: {  	[dreg:$0x13] =	wrdreg s26;
	s24 =	sadd.s32 $0xC000, s7;
	s25 =	sadd.s32 $0xD000, s7  }
0x1d: {  	s26 =	sadd.s32 $0xE000, s7;
	s0 =	sadd.s32 $0x13000, s7;
	s6 =	simm.s32 $0x2800  }
0x1e: {  	v0 =	vimm.f32 $0.0e+00;
	v1 =	vimm.f32 $1.000000000e+00;
	s16 =	simm.s32 $0x2;
	[dreg:$0x5] =	wrdreg s9;
	s9 =	simm.s32 $0x100  }
.LBB2_1:
0x1f: {  	s17 =	simm.s32 $0x0;
	s18 =	simm.s32 $0x200  }
.LBB2_2:
0x20: {  	p0 =	sne.s32 s18, $0x3E00;
	[tilespmem:s17+$0xA8F0] =	vst v0  }
0x21: {  	[tilespmem:s17+$0xA880] =	vst v0  }
0x22: {  	[tilespmem:s17+$0xA890] =	vst v0  }
.Ltmp0:
0x23: {  	[tilespmem:s17+$0xA8A0] =	vst v0;
	(pc) =	sbr.rel @p0 .LBB2_2-.Ltmp0, $4  }
0x24: {  	[tilespmem:s17+$0xA8B0] =	vst v0  }
0x25: {  	[tilespmem:s17+$0xA8C0] =	vst v0  }
0x26: {  	[tilespmem:s17+$0xA8D0] =	vst v0  }
0x27: {  	[tilespmem:s17+$0xA8E0] =	vst v0;
	s17 =	sshra.s32 s18, $0x2;
	s18 =	sadd.s32 $0x200, s18  }
0x28: {  	[tilespmem:s17+$0xA8F0] =	vst v0  }
0x29: {  	[tilespmem:s17+$0xA880] =	vst v0  }
0x2a: {  	[tilespmem:s17+$0xA890] =	vst v0  }
0x2b: {  	[tilespmem:s17+$0xA8A0] =	vst v0  }
0x2c: {  	[tilespmem:s17+$0xA8B0] =	vst v0  }
0x2d: {  	[tilespmem:s17+$0xA8C0] =	vst v0  }
0x2e: {  	[tilespmem:s17+$0xA8D0] =	vst v0  }
0x2f: {  	[tilespmem:s17+$0xA8E0] =	vst v0  }
0x30: {  	[tilespmem:$0xB880] =	vst v0  }
0x31: {  	[tilespmem:$0xB890] =	vst v0  }
0x32: {  	[tilespmem:$0xB8A0] =	vst v0  }
0x33: {  	[tilespmem:$0xB8B0] =	vst v0  }
0x34: {  	[tilespmem:$0xB8C0] =	vst v0  }
0x35: {  	[tilespmem:$0xB8D0] =	vst v0  }
0x36: {  	[tilespmem:$0xB8E0] =	vst v0  }
0x37: {  	[tilespmem:$0xB8F0] =	vst v0  }
0x38: {  	[tilespmem:$0xB900] =	vst v0  }
0x39: {  	[tilespmem:$0xB910] =	vst v0  }
0x3a: {  	[tilespmem:$0xB920] =	vst v0  }
0x3b: {  	[tilespmem:$0xB930] =	vst v0  }
0x3c: {  	[tilespmem:$0xB940] =	vst v0  }
0x3d: {  	[tilespmem:$0xB950] =	vst v0  }
0x3e: {  	[tilespmem:$0xB960] =	vst v0  }
0x3f: {  	[tilespmem:$0xB970] =	vst v0  }
0x40: {  	[tilespmem:$0xB980] =	vst v0  }
0x41: {  	[tilespmem:$0xB990] =	vst v0  }
0x42: {  	[tilespmem:$0xB9A0] =	vst v0  }
0x43: {  	[tilespmem:$0xB9B0] =	vst v0  }
0x44: {  	[tilespmem:$0xB9C0] =	vst v0  }
0x45: {  	[tilespmem:$0xB9D0] =	vst v0  }
0x46: {  	[tilespmem:$0xB9E0] =	vst v0  }
0x47: {  	[tilespmem:$0xB9F0] =	vst v0  }
0x48: {  	[tilespmem:$0xBA00] =	vst v0  }
0x49: {  	[tilespmem:$0xBA10] =	vst v0  }
0x4a: {  	[tilespmem:$0xBA20] =	vst v0  }
0x4b: {  	[tilespmem:$0xBA30] =	vst v0  }
0x4c: {  	[tilespmem:$0xBA40] =	vst v0  }
0x4d: {  	[tilespmem:$0xBA50] =	vst v0  }
0x4e: {  	[tilespmem:$0xBA60] =	vst v0  }
0x4f: {  	[tilespmem:$0xBA70] =	vst v0  }
0x50: {  	[tilespmem:$0xBA80] =	vst v0  }
0x51: {  	[tilespmem:$0xBA90] =	vst v0  }
0x52: {  	[tilespmem:$0xBAA0] =	vst v0  }
0x53: {  	[tilespmem:$0xBAB0] =	vst v0  }
0x54: {  	[tilespmem:$0xBAC0] =	vst v0  }
0x55: {  	[tilespmem:$0xBAD0] =	vst v0  }
0x56: {  	[tilespmem:$0xBAE0] =	vst v0  }
0x57: {  	[tilespmem:$0xBAF0] =	vst v0  }
0x58: {  	[tilespmem:$0xA800] =	vst v1  }
0x59: {  	[tilespmem:$0xA810] =	vst v1  }
0x5a: {  	[tilespmem:$0xA820] =	vst v1  }
0x5b: {  	[tilespmem:$0xA830] =	vst v1  }
0x5c: {  	[tilespmem:$0xA840] =	vst v1  }
0x5d: {  	[tilespmem:$0xA850] =	vst v1  }
0x5e: {  	[tilespmem:$0xA860] =	vst v1  }
0x5f: {  	s17 =	simm.s32 $0x0;
	s18 =	rddreg [dreg:$0x4];
	[tilespmem:$0xA870] =	vst v1  }
0x60: {  	[tilespmem:s17], [sflag:$0x4] =	stream.linear.gather [hbm4b:s18+s17], $0x2800, $0x38;
	[tilespmem:$0x1FD80] =	vst v63  }
0x61: {  	_ =	swait.ge [sflag:s3], $0x2800  }
0x62: {  	[sflag:s3] =	ssyncset.done $0x0  }
0x63: {  	s18 =	simm.s32 $0x80;
	[sflag:s3] =	ssyncadd.s32 $0xFFFFD800  }
0x64: {  	[tilespmem:s6], [sflag:$0x1] =	stream.indirect.gather [hbm4b:s5+s18], $0x80, s17, s18, $0xb8;
	[tilespmem:$0x1FD80] =	vst v63  }
0x65: {  	_ = 	snop  }
0x66: {  	[tilespmem:s10], [sflag:$0x2] =	stream.indirect.gather [hbm4b:s5+s18], $0x80, s9, s18, $0xb8;
	[tilespmem:$0x1FD80] =	vst v63  }
0x67: {  	_ = 	snop  }
0x68: {  	[spmem:s7] =	stream.linear.scatter [tilespmem:s11], [sflag:$0x4], $0x1000, $0x38;
	[tilespmem:$0x1FD80] =	vst v63  }
0x69: {  	_ =	swait.ge [sflag:s3], $0x1000  }
0x6a: {  	[sflag:s3] =	ssyncset.done $0x0  }
0x6b: {  	s19 =	rddreg [dreg:$0x9];
	[sflag:s3] =	ssyncadd.s32 $0xFFFFF000  }
0x6c: {  	[spmem:s19] =	stream.linear.scatter [tilespmem:s11], [sflag:$0x4], $0x1000, $0x38;
	[tilespmem:$0x1FD80] =	vst v63  }
0x6d: {  	_ =	swait.ge [sflag:s3], $0x1000  }
0x6e: {  	[sflag:s3] =	ssyncset.done $0x0  }
0x6f: {  	s20 =	rddreg [dreg:$0xa];
	[sflag:s3] =	ssyncadd.s32 $0xFFFFF000  }
0x70: {  	[spmem:s20] =	stream.linear.scatter [tilespmem:s11], [sflag:$0x4], $0x1000, $0x38;
	[tilespmem:$0x1FD80] =	vst v63  }
0x71: {  	_ =	swait.ge [sflag:s3], $0x1000  }
0x72: {  	[sflag:s3] =	ssyncset.done $0x0  }
0x73: {  	s21 =	rddreg [dreg:$0xb];
	[sflag:s3] =	ssyncadd.s32 $0xFFFFF000  }
0x74: {  	[spmem:s21] =	stream.linear.scatter [tilespmem:s11], [sflag:$0x4], $0x1000, $0x38;
	[tilespmem:$0x1FD80] =	vst v63  }
0x75: {  	_ =	swait.ge [sflag:s3], $0x1000  }
0x76: {  	[sflag:s3] =	ssyncset.done $0x0  }
0x77: {  	s22 =	rddreg [dreg:$0xc];
	[sflag:s3] =	ssyncadd.s32 $0xFFFFF000  }
0x78: {  	[spmem:s22] =	stream.linear.scatter [tilespmem:s11], [sflag:$0x4], $0x1000, $0x38;
	[tilespmem:$0x1FD80] =	vst v63  }
0x79: {  	_ =	swait.ge [sflag:s3], $0x1000  }
0x7a: {  	[sflag:s3] =	ssyncset.done $0x0  }
0x7b: {  	s23 =	rddreg [dreg:$0xd];
	[sflag:s3] =	ssyncadd.s32 $0xFFFFF000  }
0x7c: {  	[spmem:s23] =	stream.linear.scatter [tilespmem:s11], [sflag:$0x4], $0x1000, $0x38;
	[tilespmem:$0x1FD80] =	vst v63  }
0x7d: {  	_ =	swait.ge [sflag:s3], $0x1000  }
0x7e: {  	[sflag:s3] =	ssyncset.done $0x0  }
0x7f: {  	s20 =	rddreg [dreg:$0xe];
	[sflag:s3] =	ssyncadd.s32 $0xFFFFF000  }
0x80: {  	[spmem:s20] =	stream.linear.scatter [tilespmem:s11], [sflag:$0x4], $0x1000, $0x38;
	[tilespmem:$0x1FD80] =	vst v63  }
0x81: {  	_ =	swait.ge [sflag:s3], $0x1000  }
0x82: {  	[sflag:s3] =	ssyncset.done $0x0  }
0x83: {  	s21 =	rddreg [dreg:$0xf];
	[sflag:s3] =	ssyncadd.s32 $0xFFFFF000  }
0x84: {  	[spmem:s21] =	stream.linear.scatter [tilespmem:s11], [sflag:$0x4], $0x1000, $0x38;
	[tilespmem:$0x1FD80] =	vst v63  }
0x85: {  	_ =	swait.ge [sflag:s3], $0x1000  }
0x86: {  	[sflag:s3] =	ssyncset.done $0x0  }
0x87: {  	s22 =	rddreg [dreg:$0x10];
	[sflag:s3] =	ssyncadd.s32 $0xFFFFF000  }
0x88: {  	[spmem:s22] =	stream.linear.scatter [tilespmem:s11], [sflag:$0x4], $0x1000, $0x38;
	[tilespmem:$0x1FD80] =	vst v63  }
0x89: {  	_ =	swait.ge [sflag:s3], $0x1000  }
0x8a: {  	[sflag:s3] =	ssyncset.done $0x0  }
0x8b: {  	s23 =	rddreg [dreg:$0x11];
	[sflag:s3] =	ssyncadd.s32 $0xFFFFF000  }
0x8c: {  	[spmem:s23] =	stream.linear.scatter [tilespmem:s11], [sflag:$0x4], $0x1000, $0x38;
	[tilespmem:$0x1FD80] =	vst v63  }
0x8d: {  	_ =	swait.ge [sflag:s3], $0x1000  }
0x8e: {  	[sflag:s3] =	ssyncset.done $0x0  }
0x8f: {  	s20 =	rddreg [dreg:$0x12];
	[sflag:s3] =	ssyncadd.s32 $0xFFFFF000  }
0x90: {  	[spmem:s20] =	stream.linear.scatter [tilespmem:s11], [sflag:$0x4], $0x1000, $0x38;
	[tilespmem:$0x1FD80] =	vst v63  }
0x91: {  	_ =	swait.ge [sflag:s3], $0x1000  }
0x92: {  	[sflag:s3] =	ssyncset.done $0x0  }
0x93: {  	s21 =	rddreg [dreg:$0x13];
	[sflag:s3] =	ssyncadd.s32 $0xFFFFF000  }
0x94: {  	[spmem:s21] =	stream.linear.scatter [tilespmem:s11], [sflag:$0x4], $0x1000, $0x38;
	[tilespmem:$0x1FD80] =	vst v63  }
0x95: {  	_ =	swait.ge [sflag:s3], $0x1000  }
0x96: {  	[sflag:s3] =	ssyncset.done $0x0  }
0x97: {  	[sflag:s3] =	ssyncadd.s32 $0xFFFFF000  }
0x98: {  	[spmem:s24] =	stream.linear.scatter [tilespmem:s11], [sflag:$0x4], $0x1000, $0x38;
	[tilespmem:$0x1FD80] =	vst v63  }
0x99: {  	_ =	swait.ge [sflag:s3], $0x1000  }
0x9a: {  	[sflag:s3] =	ssyncset.done $0x0  }
0x9b: {  	[sflag:s3] =	ssyncadd.s32 $0xFFFFF000  }
0x9c: {  	[spmem:s25] =	stream.linear.scatter [tilespmem:s11], [sflag:$0x4], $0x1000, $0x38;
	[tilespmem:$0x1FD80] =	vst v63  }
0x9d: {  	_ =	swait.ge [sflag:s3], $0x1000  }
0x9e: {  	[sflag:s3] =	ssyncset.done $0x0  }
0x9f: {  	[sflag:s3] =	ssyncadd.s32 $0xFFFFF000  }
0xa0: {  	[spmem:s26] =	stream.linear.scatter [tilespmem:s11], [sflag:$0x4], $0x1000, $0x38;
	[tilespmem:$0x1FD80] =	vst v63  }
0xa1: {  	_ =	swait.ge [sflag:s3], $0x1000  }
0xa2: {  	[sflag:s3] =	ssyncset.done $0x0  }
0xa3: {  	[sflag:s3] =	ssyncadd.s32 $0xFFFFF000  }
0xa4: {  	[spmem:s28] =	stream.linear.scatter [tilespmem:s11], [sflag:$0x4], $0x1000, $0x38;
	[tilespmem:$0x1FD80] =	vst v63  }
0xa5: {  	_ =	swait.ge [sflag:s3], $0x1000  }
0xa6: {  	[sflag:s3] =	ssyncset.done $0x0  }
0xa7: {  	[sflag:s3] =	ssyncadd.s32 $0xFFFFF000  }
0xa8: {  	[spmem:s29] =	stream.linear.scatter [tilespmem:s11], [sflag:$0x4], $0x1000, $0x38;
	[tilespmem:$0x1FD80] =	vst v63  }
0xa9: {  	_ =	swait.ge [sflag:s3], $0x1000  }
0xaa: {  	[sflag:s3] =	ssyncset.done $0x0  }
0xab: {  	[sflag:s3] =	ssyncadd.s32 $0xFFFFF000  }
0xac: {  	[spmem:s30] =	stream.linear.scatter [tilespmem:s11], [sflag:$0x4], $0x1000, $0x38;
	[tilespmem:$0x1FD80] =	vst v63  }
0xad: {  	_ =	swait.ge [sflag:s3], $0x1000  }
0xae: {  	[sflag:s3] =	ssyncset.done $0x0  }
0xaf: {  	[sflag:s3] =	ssyncadd.s32 $0xFFFFF000  }
0xb0: {  	[spmem:s31] =	stream.linear.scatter [tilespmem:s11], [sflag:$0x4], $0x1000, $0x38;
	[tilespmem:$0x1FD80] =	vst v63  }
0xb1: {  	_ =	swait.ge [sflag:s3], $0x1000  }
0xb2: {  	[sflag:s3] =	ssyncset.done $0x0  }
0xb3: {  	[sflag:s3] =	ssyncadd.s32 $0xFFFFF000  }
0xb4: {  	[spmem:s0] =	stream.linear.scatter [tilespmem:s11], [sflag:$0x4], $0x1000, $0x38;
	[tilespmem:$0x1FD80] =	vst v63  }
0xb5: {  	_ =	swait.ge [sflag:s3], $0x1000  }
0xb6: {  	[sflag:s3] =	ssyncset.done $0x0  }
0xb7: {  	s22 =	simm.s32 $0xB880;
	[sflag:s3] =	ssyncadd.s32 $0xFFFFF000  }
0xb8: {  	[spmem:s8] =	stream.linear.scatter [tilespmem:s22], [sflag:$0x4], $0x280, $0x38;
	[tilespmem:$0x1FD80] =	vst v63  }
0xb9: {  	_ =	swait.ge [sflag:s3], $0x280  }
0xba: {  	[sflag:s3] =	ssyncset.done $0x0  }
0xbb: {  	s23 =	sand.u32 $0x1, s17;
	[sflag:s3] =	ssyncadd.s32 $0xFFFFFD80  }
0xbc: {  	s20 =	sadd.s32 $0x1, s23;
	[bflag:$0x0] =	sbarrier.arrive $0xFFFF  }
0xbd: {  	_ =	swait.ge [sflag:s20], $0x4000  }
0xbe: {  	[sflag:s20] =	ssyncset.done $0x0  }
0xbf: {  	s19 =	sshll.u32 s23, $0xE;
	[sflag:s20] =	ssyncadd.s32 $0xFFFFC000  }
0xc0: {  	[spmem:s2] =	stream.indirect.scatter.add.f32 [tilespmem:s13], [sflag:$0x3], $0x1, s18, s12, $0xb8;
	[tilespmem:$0x1FD80] =	vst v63  }
0xc1: {  	s19 =	sor.u32 $0x2800, s19  }
0xc2: {  	[spmem:s1] =	stream.indirect.scatter.add.f32 [tilespmem:s19], [sflag:$0x4], $0x80, s18, s12, $0xb8;
	[tilespmem:$0x1FD80] =	vst v63  }
0xc3: {  	s17 =	smin.u32 s17, $0x25;
	_ =	swait.ge [sflag:s3], $0x4000  }
0xc4: {  	s17 =	sshll.u32 s17, $0x8;
	[sflag:s3] =	ssyncset.done $0x0  }
0xc5: {  	s17 =	sadd.s32 $0x200, s17;
	[sflag:s3] =	ssyncadd.s32 $0xFFFFC000  }
0xc6: {  	[tilespmem:s19], [sflag:s20] =	stream.indirect.gather [hbm4b:s5+s12], $0x80, s17, s12, $0xb8;
	[tilespmem:$0x1FD80] =	vst v63  }
0xc7: {  	s18 =	simm.s32 $0x180;
	s17 =	simm.s32 $0x1;
	_ =	swait.ge [sflag:s14], $0x80  }
0xc8: {  	s20 =	simm.s32 $0x2;
	s19 =	sand.u32 $0x1, s17;
	[sflag:s14] =	ssyncset.done $0x0  }
.LBB2_4:
0xc9: {  	s21 =	sadd.s32 $0x1, s19  }
0xca: {  	[sflag:s14] =	ssyncadd.s32 $0xFFFFFF80;
	s22 =	smov.u32 s20;
	s23 =	sadd.s32 $0x1, s20  }
0xcb: {  	p0 =	sne.s32 s20, $0x27;
	_ =	swait.ge [sflag:s21], $0x4000  }
0xcc: {  	[sflag:s21] =	ssyncset.done $0x0  }
0xcd: {  	s19 =	sshll.u32 s19, $0xE;
	[sflag:s21] =	ssyncadd.s32 $0xFFFFC000  }
0xce: {  	[spmem:s2] =	stream.indirect.scatter.add.f32 [tilespmem:s13], [sflag:$0x3], $0x1, s18, s12, $0xb8;
	[tilespmem:$0x1FD80] =	vst v63  }
0xcf: {  	s19 =	sor.u32 $0x2800, s19  }
0xd0: {  	[spmem:s1] =	stream.indirect.scatter.add.f32 [tilespmem:s19], [sflag:$0x4], $0x80, s18, s12, $0xb8;
	[tilespmem:$0x1FD80] =	vst v63  }
0xd1: {  	s20 =	smin.u32 s17, $0x25;
	s17 =	smov.u32 s22;
	_ =	swait.ge [sflag:s3], $0x4000  }
.Ltmp1:
0xd2: {  	s20 =	sshll.u32 s20, $0x8;
	[sflag:s3] =	ssyncset.done $0x0;
	(pc) =	sbr.rel @p0 .LBB2_4-.Ltmp1, $4  }
0xd3: {  	s20 =	sadd.s32 $0x200, s20;
	[sflag:s3] =	ssyncadd.s32 $0xFFFFC000  }
0xd4: {  	[tilespmem:s19], [sflag:s21] =	stream.indirect.gather [hbm4b:s5+s12], $0x80, s20, s12, $0xb8;
	[tilespmem:$0x1FD80] =	vst v63  }
0xd5: {  	s18 =	sadd.s32 $0x100, s18;
	_ =	swait.ge [sflag:s14], $0x80  }
0xd6: {  	s19 =	sand.u32 $0x1, s17;
	s20 =	smov.u32 s23;
	[sflag:s14] =	ssyncset.done $0x0  }
0xd7: {  	s20 =	sadd.s32 $0x1, s19;
	[sflag:s14] =	ssyncadd.s32 $0xFFFFFF80  }
0xd8: {  	_ =	swait.ge [sflag:s20], $0x4000  }
0xd9: {  	[sflag:s20] =	ssyncset.done $0x0  }
0xda: {  	s23 =	sshll.u32 s19, $0xE;
	[sflag:s20] =	ssyncadd.s32 $0xFFFFC000  }
0xdb: {  	[spmem:s2] =	stream.indirect.scatter.add.f32 [tilespmem:s13], [sflag:$0x3], $0x1, s18, s12, $0xb8;
	[tilespmem:$0x1FD80] =	vst v63  }
0xdc: {  	s19 =	sor.u32 $0x2800, s23  }
0xdd: {  	[spmem:s1] =	stream.indirect.scatter.add.f32 [tilespmem:s19], [sflag:$0x4], $0x80, s18, s12, $0xb8;
	[tilespmem:$0x1FD80] =	vst v63  }
0xde: {  	s17 =	smin.u32 s17, $0x25;
	_ =	swait.ge [sflag:s3], $0x4000  }
0xdf: {  	s17 =	sshll.u32 s17, $0x8;
	[sflag:s3] =	ssyncset.done $0x0  }
0xe0: {  	s17 =	sadd.s32 $0x200, s17;
	[sflag:s3] =	ssyncadd.s32 $0xFFFFC000  }
0xe1: {  	[tilespmem:s19], [sflag:s20] =	stream.indirect.gather [hbm4b:s5+s12], $0x80, s17, s12, $0xb8;
	[tilespmem:$0x1FD80] =	vst v63  }
0xe2: {  	_ =	swait.ge [sflag:s14], $0x80  }
0xe3: {  	[sflag:s14] =	ssyncset.done $0x0  }
0xe4: {  	[sflag:s14] =	ssyncadd.s32 $0xFFFFFF80  }
0xe5: {  	_ =	swait.ge [sflag:s15], $0x4000  }
0xe6: {  	[sflag:s15] =	ssyncset.done $0x0  }
0xe7: {  	[sflag:s15] =	ssyncadd.s32 $0xFFFFC000  }
0xe8: {  	_ =	swait.ge [sflag:s16], $0x4000  }
0xe9: {  	[sflag:s16] =	ssyncset.done $0x0  }
0xea: {  	s17 =	simm.s32 $0x0;
	s20 =	rddreg [dreg:$0x5];
	[sflag:s16] =	ssyncadd.s32 $0xFFFFC000  }
0xeb: {  	[tilespmem:s17], [sflag:$0x4] =	stream.linear.gather [hbm4b:s20+s17], $0x2800, $0x38;
	[tilespmem:$0x1FD80] =	vst v63  }
0xec: {  	_ =	swait.ge [sflag:s3], $0x2800  }
0xed: {  	[sflag:s3] =	ssyncset.done $0x0  }
0xee: {  	s21 =	simm.s32 $0x80;
	s22 =	sand.u32 $0x1, s17;
	[sflag:s3] =	ssyncadd.s32 $0xFFFFD800  }
0xef: {  	[tilespmem:s6], [sflag:$0x1] =	stream.indirect.gather [hbm4b:s5+s21], $0x80, s17, s21, $0xb8;
	[tilespmem:$0x1FD80] =	vst v63  }
0xf0: {  	s23 =	sadd.s32 $0x1, s22  }
0xf1: {  	[tilespmem:s10], [sflag:$0x2] =	stream.indirect.gather [hbm4b:s5+s21], $0x80, s9, s21, $0xb8;
	[tilespmem:$0x1FD80] =	vst v63  }
0xf2: {  	_ =	swait.ge [sflag:s23], $0x4000  }
0xf3: {  	[sflag:s23] =	ssyncset.done $0x0  }
0xf4: {  	s19 =	sshll.u32 s22, $0xE;
	[sflag:s23] =	ssyncadd.s32 $0xFFFFC000  }
0xf5: {  	[spmem:s2] =	stream.indirect.scatter.add.f32 [tilespmem:s13], [sflag:$0x3], $0x1, s21, s12, $0xb8;
	[tilespmem:$0x1FD80] =	vst v63  }
0xf6: {  	s19 =	sor.u32 $0x2800, s19  }
0xf7: {  	[spmem:s1] =	stream.indirect.scatter.add.f32 [tilespmem:s19], [sflag:$0x4], $0x80, s21, s12, $0xb8;
	[tilespmem:$0x1FD80] =	vst v63  }
0xf8: {  	s17 =	smin.u32 s17, $0x25;
	_ =	swait.ge [sflag:s3], $0x4000  }
0xf9: {  	s17 =	sshll.u32 s17, $0x8;
	[sflag:s3] =	ssyncset.done $0x0  }
0xfa: {  	s17 =	sadd.s32 $0x200, s17;
	[sflag:s3] =	ssyncadd.s32 $0xFFFFC000  }
0xfb: {  	[tilespmem:s19], [sflag:s23] =	stream.indirect.gather [hbm4b:s5+s12], $0x80, s17, s12, $0xb8;
	[tilespmem:$0x1FD80] =	vst v63  }
0xfc: {  	s18 =	simm.s32 $0x180;
	s17 =	simm.s32 $0x1;
	_ =	swait.ge [sflag:s14], $0x80  }
0xfd: {  	s20 =	simm.s32 $0x2;
	s19 =	sand.u32 $0x1, s17;
	[sflag:s14] =	ssyncset.done $0x0  }
.LBB2_6:
0xfe: {  	s21 =	sadd.s32 $0x1, s19  }
0xff: {  	[sflag:s14] =	ssyncadd.s32 $0xFFFFFF80;
	s22 =	smov.u32 s20;
	s23 =	sadd.s32 $0x1, s20  }
0x100: {  	p0 =	sne.s32 s20, $0x27;
	_ =	swait.ge [sflag:s21], $0x4000  }
0x101: {  	[sflag:s21] =	ssyncset.done $0x0  }
0x102: {  	s19 =	sshll.u32 s19, $0xE;
	[sflag:s21] =	ssyncadd.s32 $0xFFFFC000  }
0x103: {  	[spmem:s2] =	stream.indirect.scatter.add.f32 [tilespmem:s13], [sflag:$0x3], $0x1, s18, s12, $0xb8;
	[tilespmem:$0x1FD80] =	vst v63  }
0x104: {  	s19 =	sor.u32 $0x2800, s19  }
0x105: {  	[spmem:s1] =	stream.indirect.scatter.add.f32 [tilespmem:s19], [sflag:$0x4], $0x80, s18, s12, $0xb8;
	[tilespmem:$0x1FD80] =	vst v63  }
0x106: {  	s20 =	smin.u32 s17, $0x25;
	s17 =	smov.u32 s22;
	_ =	swait.ge [sflag:s3], $0x4000  }
.Ltmp2:
0x107: {  	s20 =	sshll.u32 s20, $0x8;
	[sflag:s3] =	ssyncset.done $0x0;
	(pc) =	sbr.rel @p0 .LBB2_6-.Ltmp2, $4  }
0x108: {  	s20 =	sadd.s32 $0x200, s20;
	[sflag:s3] =	ssyncadd.s32 $0xFFFFC000  }
0x109: {  	[tilespmem:s19], [sflag:s21] =	stream.indirect.gather [hbm4b:s5+s12], $0x80, s20, s12, $0xb8;
	[tilespmem:$0x1FD80] =	vst v63  }
0x10a: {  	s18 =	sadd.s32 $0x100, s18;
	_ =	swait.ge [sflag:s14], $0x80  }
0x10b: {  	s19 =	sand.u32 $0x1, s17;
	s20 =	smov.u32 s23;
	[sflag:s14] =	ssyncset.done $0x0  }
0x10c: {  	s20 =	sadd.s32 $0x1, s19;
	[sflag:s14] =	ssyncadd.s32 $0xFFFFFF80  }
0x10d: {  	_ =	swait.ge [sflag:s20], $0x4000  }
0x10e: {  	[sflag:s20] =	ssyncset.done $0x0  }
0x10f: {  	s23 =	sshll.u32 s19, $0xE;
	[sflag:s20] =	ssyncadd.s32 $0xFFFFC000  }
0x110: {  	[spmem:s2] =	stream.indirect.scatter.add.f32 [tilespmem:s13], [sflag:$0x3], $0x1, s18, s12, $0xb8;
	[tilespmem:$0x1FD80] =	vst v63  }
0x111: {  	s19 =	sor.u32 $0x2800, s23  }
0x112: {  	[spmem:s1] =	stream.indirect.scatter.add.f32 [tilespmem:s19], [sflag:$0x4], $0x80, s18, s12, $0xb8;
	[tilespmem:$0x1FD80] =	vst v63  }
0x113: {  	s17 =	smin.u32 s17, $0x25;
	_ =	swait.ge [sflag:s3], $0x4000  }
0x114: {  	s17 =	sshll.u32 s17, $0x8;
	[sflag:s3] =	ssyncset.done $0x0  }
0x115: {  	s17 =	sadd.s32 $0x200, s17;
	[sflag:s3] =	ssyncadd.s32 $0xFFFFC000  }
0x116: {  	[tilespmem:s19], [sflag:s20] =	stream.indirect.gather [hbm4b:s5+s12], $0x80, s17, s12, $0xb8;
	[tilespmem:$0x1FD80] =	vst v63  }
0x117: {  	_ =	swait.ge [sflag:s14], $0x80  }
0x118: {  	[sflag:s14] =	ssyncset.done $0x0  }
0x119: {  	[sflag:s14] =	ssyncadd.s32 $0xFFFFFF80  }
0x11a: {  	_ =	swait.ge [sflag:s15], $0x4000  }
0x11b: {  	[sflag:s15] =	ssyncset.done $0x0  }
0x11c: {  	[sflag:s15] =	ssyncadd.s32 $0xFFFFC000  }
0x11d: {  	_ =	swait.ge [sflag:s16], $0x4000  }
0x11e: {  	[sflag:s16] =	ssyncset.done $0x0  }
0x11f: {  	s21 =	stileid.u32;
	[sflag:s16] =	ssyncadd.s32 $0xFFFFC000  }
0x120: {  	s17 =	sshll.u32 s21, $0x6;
	[bflag:$0x0] =	sbarrier.arrive $0xFFFF  }
0x121: {  	s22 =	sshrl.u32 s7, $0x3;
	s17 =	sor.u32 $0x1C04, s17;
	s23 =	rddreg [dreg:$0x6]  }
0x122: {  	[hbm:s23], [sflag:s17] =	dma.local [spmem:s22], $0x2800  }
0x123: {  	_ =	swait.ge [sflag:s3], $0x2800  }
0x124: {  	s19 =	sshrl.u32 s8, $0x3;
	s21 =	simm.s32 $0x10;
	[sflag:s3] =	ssyncset.done $0x0  }
0x125: {  	s22 =	simm.s32 $0x20;
	s20 =	rddreg [dreg:$0x7];
	[sflag:s3] =	ssyncadd.s32 $0xFFFFD800  }
0x126: {  	[hbm:s20@s22], [sflag:s17] =	dma.strided [spmem:s19@s21], $0x50, s15, $0x10   }
0x127: {  	_ =	swait.ge [sflag:s3], $0x50  }
0x128: {  	s4 =	sadd.s32 $0x1, s4;
	s23 =	rddreg [dreg:$0x8]  }
0x129: {  	p0 =	sne.s32 s4, s23  }
.Ltmp3:
0x12a: {  	_ = 	snop;
	(pc) =	sbr.rel @p0 .LBB2_1-.Ltmp3, $3  }
0x12b: {  	_ =	sdelay $0x1  }
0x12c: {  	[sflag:s3] =	ssyncset.done $0x0  }
0x12d: {  	[sflag:s3] =	ssyncadd.s32 $0xFFFFFFB0  }
0x12e: {  	_ =	sfence.sel $0x180000  }
0x12f: {  	[bflag:$0x0] =	sbarrier.arrive $0xFFFF  }
0x130: {  	_ =	strace $0x90000047  }
0x131: {  	s0 =	stileid.u32;
	[bflag:$0x2] =	sbarrier.arrive $0xFFFF  }
0x132: {  	p0 =	sne.s32 s0, $0x0;
	s0 =	rddreg [dreg:$0x3]  }
0x133: {  	s0 =	sadd.s32 @!p0 $0x100000, s0  }
0x134: {  	[sflag:s0] =	ssyncadd.tile.s32 @!p0 $0x1;
	_ =	shalt  }
.Lfunc_end2:
_tile_overlayer_lowered:
.L_overlay_start_2:
0x135: {  	(tag) =	ssettag $0x2  }
0x136: {  	s0 =	rddreg [dreg:$0x0];
	s2 =	stileid.u32  }
0x137: {  	s1 =	rddreg [dreg:$0x1];
	p0 =	sne.s32 s2, $0x0  }
0x138: {  	s3 =	rddreg [dreg:$0x2];
	[bflag:$0x3] =	sbarrier.arrive $0xFFFF;
	s2 =	simm.s32 @!p0 $0x1C04  }
0x139: {  	[timem:s3], [sflag:s2] =	dma.local @!p0 [hbm:s0], s1  }
0x13a: {  	s0 =	simm.s32 @!p0 $0x4  }
0x13b: {  	_ =	swait.ge @!p0 [sflag:s0], s1  }
0x13c: {  	s1 =	ssub.s32 @!p0 $0x0, s1;
	[sflag:s0] =	ssyncset.done @!p0 $0x0  }
0x13d: {  	[sflag:s0] =	ssyncadd.s32 @!p0 s1  }
0x13e: {  	[bflag:$0x3] =	sbarrier.arrive $0xFFFF  }
0x13f: {  	_ =	shalt  }

</sc_bundles>
